<compile_context>
chip_gen: v7x
topology: tpu7x:2x2x1
jax: 0.10.2.dev20260603
libtpu: 0.0.44.dev20260713+nightly
codegen_flags: <defaults>
</compile_context>

<pallas_src>
import functools

import jax
import numpy as np
import jax.numpy as jnp
from jax import lax
from jax.experimental import pallas as pl
from jax.experimental.pallas import tpu as pltpu
from jax.experimental.pallas import tpu_sc as plsc

_N_USER = 10000
_N_ITEM = 10000
_D = 128
_E = 320000

_NUM_TILES = 16
_CHUNK = 120
_EPT = 20160
_NCHUNKS = _EPT // _CHUNK
_EPAD = _EPT * _NUM_TILES
_N_PAD = 10112
_ROWS_PER_TILE = _N_PAD // _NUM_TILES


def _sc_aggregate(table, src_flat, dst_flat, zeros):
    mesh = plsc.VectorSubcoreMesh(core_axis_name="c", subcore_axis_name="s")

    @functools.partial(
        pl.kernel,
        out_type=jax.ShapeDtypeStruct((2, _N_PAD, _D), jnp.float32),
        mesh=mesh,
        scratch_types=(
            [pltpu.VMEM((_CHUNK,), jnp.int32)] * 4
            + [pltpu.VMEM((_CHUNK,), jnp.int32)] * 4
            + [pltpu.VMEM((_CHUNK, _D), jnp.float32)] * 3
            + [pltpu.VMEM_SHARED((_N_PAD, _D), jnp.float32)]
            + [pltpu.SemaphoreType.DMA] * 10
        ),
    )
    def agg_kernel(table_hbm, src_hbm, dst_hbm, zeros_hbm, out_hbm, *scr):
        src_v = scr[0:4]
        dst_v = scr[4:8]
        rows_v = scr[8:11]
        acc_sh = scr[11]
        isem = scr[12:16]
        gsem = scr[16:19]
        ssem = scr[19:22]
        c = lax.axis_index("c")
        s = lax.axis_index("s")
        rbase = s * _ROWS_PER_TILE
        ebase = c * _EPAD + s * _EPT

        def idx_copies(i, k):
            e0 = ebase + i * _CHUNK
            return (
                pltpu.make_async_copy(
                    src_hbm.at[pl.ds(e0, _CHUNK)], src_v[k], isem[k]),
                pltpu.make_async_copy(
                    dst_hbm.at[pl.ds(e0, _CHUNK)], dst_v[k], isem[k]),
            )

        def gather(k, p):
            return pltpu.make_async_copy(
                table_hbm.at[src_v[k]], rows_v[p], gsem[p])

        def scatter(k, p):
            return pltpu.make_async_copy(
                rows_v[p], acc_sh.at[dst_v[k]], ssem[p])

        for i0 in range(3):
            for d in idx_copies(i0, i0):
                d.start()
        pltpu.sync_copy(zeros_hbm.at[pl.ds(rbase, _ROWS_PER_TILE)],
                        acc_sh.at[pl.ds(rbase, _ROWS_PER_TILE)])
        plsc.subcore_barrier()
        for d in idx_copies(0, 0):
            d.wait()
        gather(0, 0).start()
        for d in idx_copies(1, 1):
            d.wait()
        gather(1, 1).start()

        @pl.loop(0, _NCHUNKS // 12)
        def _(t):
            for j in range(12):
                i = t * 12 + j
                p, p2 = j % 3, (j + 2) % 3
                k2, k3 = (j + 2) % 4, (j + 3) % 4

                gather(j % 4, p).wait()
                scatter(j % 4, p).start(add=True)

                @pl.when(i >= 1)
                def _():
                    scatter(k3, p2).wait()

                @pl.when(i + 2 < _NCHUNKS)
                def _():
                    for d in idx_copies(i + 2, k2):
                        d.wait()
                    gather(k2, p2).start()

                @pl.when(i + 3 < _NCHUNKS)
                def _():
                    for d in idx_copies(i + 3, k3):
                        d.start()

        scatter((_NCHUNKS - 1) % 4, (_NCHUNKS - 1) % 3).wait()
        plsc.subcore_barrier()
        pltpu.sync_copy(acc_sh.at[pl.ds(rbase, _ROWS_PER_TILE)],
                        out_hbm.at[c, pl.ds(rbase, _ROWS_PER_TILE)])

    return agg_kernel(table, src_flat, dst_flat, zeros)


def _affine_kernel(agg0_ref, agg1_ref, xi_ref, xu_ref,
                   wm0_ref, wr0_ref, b0_ref, wm1_ref, wr1_ref, b1_ref,
                   oi_ref, ou_ref):
    oi_ref[...] = (
        jnp.dot(agg0_ref[0], wm0_ref[...], preferred_element_type=jnp.float32)
        + jnp.dot(xi_ref[...], wr0_ref[...], preferred_element_type=jnp.float32)
        + b0_ref[...]
    )
    ou_ref[...] = (
        jnp.dot(agg1_ref[0], wm1_ref[...], preferred_element_type=jnp.float32)
        + jnp.dot(xu_ref[...], wr1_ref[...], preferred_element_type=jnp.float32)
        + b1_ref[...]
    )


def _tc_epilogue(agg, x_item, x_user, wm0, wr0, b0, wm1, wr1, b1):
    n = x_item.shape[0]
    blk = 2000
    grid = (n // blk,)
    row_spec = pl.BlockSpec((blk, _D), lambda i: (i, 0))
    w_spec = pl.BlockSpec((_D, _D), lambda i: (0, 0))
    b_spec = pl.BlockSpec((1, _D), lambda i: (0, 0))
    return pl.pallas_call(
        _affine_kernel,
        grid=grid,
        in_specs=[
            pl.BlockSpec((1, blk, _D), lambda i: (0, i, 0)),
            pl.BlockSpec((1, blk, _D), lambda i: (1, i, 0)),
            row_spec, row_spec,
            w_spec, w_spec, b_spec,
            w_spec, w_spec, b_spec,
        ],
        out_specs=[row_spec, row_spec],
        out_shape=[
            jax.ShapeDtypeStruct((n, _D), jnp.float32),
            jax.ShapeDtypeStruct((n, _D), jnp.float32),
        ],
    )(agg, agg, x_item, x_user, wm0, wr0, b0.reshape(1, _D),
      wm1, wr1, b1.reshape(1, _D))


def kernel(x_user, x_item, edge_index_u2i, edge_index_i2u,
           W_msg_u2i, W_root_u2i, b_u2i,
           W_msg_i2u, W_root_i2u, b_i2u):
    table = jnp.concatenate([x_user, x_item], axis=0)
    npad_e = _EPAD - _E
    src_pad = np.arange(npad_e, dtype=np.int32) % _N_USER
    dst_pad = (_N_ITEM + np.arange(npad_e, dtype=np.int32)
               % (_N_PAD - _N_ITEM)).astype(np.int32)
    src_flat = jnp.concatenate([
        edge_index_u2i[0].astype(jnp.int32), src_pad,
        edge_index_i2u[0].astype(jnp.int32) + _N_USER, src_pad,
    ])
    dst_flat = jnp.concatenate([
        edge_index_u2i[1].astype(jnp.int32), dst_pad,
        edge_index_i2u[1].astype(jnp.int32), dst_pad,
    ])
    zeros = jnp.zeros((_N_PAD, _D), jnp.float32)
    agg = _sc_aggregate(table, src_flat, dst_flat, zeros)
    out_item, out_user = _tc_epilogue(
        agg, x_item, x_user,
        W_msg_u2i, W_root_u2i, b_u2i,
        W_msg_i2u, W_root_i2u, b_i2u)
    return (out_user, out_item)

# --- scband reference (transcript-rebuilt; emitter-appended) ---
"""Pipeline reference for scband-hetero-conv-85048942396177 (READ-ONLY COPY).

The authoritative reference and input builder live on the scoring server;
editing this copy changes nothing except your own understanding.
"""

import jax, jax.numpy as jnp
import numpy as np

N_USER = 10000
N_ITEM = 10000
D = 128
E = 320000


def _graph_conv(x_src, x_dst, edge_index, W_msg, W_root, b):
    # GraphConv-style message passing with sum aggregation.
    # Linear commutes with sum-aggregation, so aggregate raw features first
    # (gather + scatter-add dominate -> memory bound), then transform.
    src = edge_index[0]
    dst = edge_index[1]
    gathered = jnp.take(x_src, src, axis=0)                      # gather [E, D]
    agg = jax.ops.segment_sum(gathered, dst, num_segments=x_dst.shape[0])  # scatter-add
    return agg @ W_msg + x_dst @ W_root + b


def setup_inputs(seed: int = 0) -> dict:
    key = jax.random.key(seed)
    ks = jax.random.split(key, 12)
    x_user = jax.random.normal(ks[0], (N_USER, D), dtype=jnp.float32)
    x_item = jax.random.normal(ks[1], (N_ITEM, D), dtype=jnp.float32)
    edge_index_u2i = jax.random.randint(ks[2], (2, E), 0, N_USER, dtype=jnp.int64)
    edge_index_i2u = jax.random.randint(ks[3], (2, E), 0, N_ITEM, dtype=jnp.int64)
    s = 1.0 / np.sqrt(D)
    W_msg_u2i = jax.random.uniform(ks[4], (D, D), minval=-s, maxval=s, dtype=jnp.float32)
    W_root_u2i = jax.random.uniform(ks[5], (D, D), minval=-s, maxval=s, dtype=jnp.float32)
    b_u2i = jax.random.uniform(ks[6], (D,), minval=-s, maxval=s, dtype=jnp.float32)
    W_msg_i2u = jax.random.uniform(ks[7], (D, D), minval=-s, maxval=s, dtype=jnp.float32)
    W_root_i2u = jax.random.uniform(ks[8], (D, D), minval=-s, maxval=s, dtype=jnp.float32)
    b_i2u = jax.random.uniform(ks[9], (D,), minval=-s, maxval=s, dtype=jnp.float32)
    return {
        "x_user": x_user,
        "x_item": x_item,
        "edge_index_u2i": edge_index_u2i,
        "edge_index_i2u": edge_index_i2u,
        "W_msg_u2i": W_msg_u2i,
        "W_root_u2i": W_root_u2i,
        "b_u2i": b_u2i,
        "W_msg_i2u": W_msg_i2u,
        "W_root_i2u": W_root_i2u,
        "b_i2u": b_i2u,
    }


def reference(x_user, x_item, edge_index_u2i, edge_index_i2u,
              W_msg_u2i, W_root_u2i, b_u2i,
              W_msg_i2u, W_root_i2u, b_i2u):
    # HeteroConv with a single rank: both convs consume the ORIGINAL x_dict,
    # then x_dict is updated. Each dst type receives exactly one conv output,
    # so group(..., 'sum') is identity on singleton lists.
    out_item = _graph_conv(x_user, x_item, edge_index_u2i, W_msg_u2i, W_root_u2i, b_u2i)
    out_user = _graph_conv(x_item, x_user, edge_index_i2u, W_msg_i2u, W_root_i2u, b_i2u)
    return (out_user, out_item)

if __name__ == "__main__":
    import jax
    _d = setup_inputs()
    print(jax.jit(kernel)(*tuple(_d.values())))

</pallas_src>

<mosaic_0001>
#map = affine_map<(d0, d1) -> (0, 0)>
#map1 = affine_map<(d0, d1) -> (0)>
#map2 = affine_map<(d0, d1) -> (0, 0, 0)>
module attributes {stable_mosaic.version = 14 : i64} {
  func.func @agg_kernel(%arg0: i32, %arg1: i32, %arg2: memref<20000x128xf32, #tpu.memory_space<hbm>>, %arg3: memref<645120xi32, #tpu.memory_space<hbm>>, %arg4: memref<645120xi32, #tpu.memory_space<hbm>>, %arg5: memref<10112x128xf32, #tpu.memory_space<hbm>>, %arg6: memref<2x10112x128xf32, #tpu.memory_space<hbm>>, %arg7: memref<120xi32, #tpu.memory_space<vmem>>, %arg8: memref<120xi32, #tpu.memory_space<vmem>>, %arg9: memref<120xi32, #tpu.memory_space<vmem>>, %arg10: memref<120xi32, #tpu.memory_space<vmem>>, %arg11: memref<120xi32, #tpu.memory_space<vmem>>, %arg12: memref<120xi32, #tpu.memory_space<vmem>>, %arg13: memref<120xi32, #tpu.memory_space<vmem>>, %arg14: memref<120xi32, #tpu.memory_space<vmem>>, %arg15: memref<120x128xf32, #tpu.memory_space<vmem>>, %arg16: memref<120x128xf32, #tpu.memory_space<vmem>>, %arg17: memref<120x128xf32, #tpu.memory_space<vmem>>, %arg18: memref<10112x128xf32, #tpu.memory_space<vmem_shared>>, %arg19: memref<!tpu.dma_semaphore, #tpu.memory_space<semaphore_mem>>, %arg20: memref<!tpu.dma_semaphore, #tpu.memory_space<semaphore_mem>>, %arg21: memref<!tpu.dma_semaphore, #tpu.memory_space<semaphore_mem>>, %arg22: memref<!tpu.dma_semaphore, #tpu.memory_space<semaphore_mem>>, %arg23: memref<!tpu.dma_semaphore, #tpu.memory_space<semaphore_mem>>, %arg24: memref<!tpu.dma_semaphore, #tpu.memory_space<semaphore_mem>>, %arg25: memref<!tpu.dma_semaphore, #tpu.memory_space<semaphore_mem>>, %arg26: memref<!tpu.dma_semaphore, #tpu.memory_space<semaphore_mem>>, %arg27: memref<!tpu.dma_semaphore, #tpu.memory_space<semaphore_mem>>, %arg28: memref<!tpu.dma_semaphore, #tpu.memory_space<semaphore_mem>>) attributes {dimension_semantics = [#tpu.dimension_semantics<core_parallel>, #tpu.dimension_semantics<subcore_parallel>], iteration_bounds = array<i64: 2, 16>, scalar_prefetch = 0 : i64, scratch_operands = 22 : i64, tpu.core_type = #tpu.core_type<sc_vector_subcore>, window_params = [{transform_indices = #map}, {transform_indices = #map1}, {transform_indices = #map1}, {transform_indices = #map}, {transform_indices = #map2}]} {
    %mul3A = arith.constant 632 : i32
    %mul3A_0 = arith.muli %arg1, %mul3A : i32
    %mul3A_1 = arith.constant 322560 : i32
    %mul3A_2 = arith.muli %arg0, %mul3A_1 : i32
    %mul3A_3 = arith.constant 20160 : i32
    %mul3A_4 = arith.muli %arg1, %mul3A_3 : i32
    %add3A = arith.addi %mul3A_2, %mul3A_4 : i32
    %add3A_5 = arith.constant 0 : i32
    %add3A_6 = arith.addi %add3A, %add3A_5 : i32
    %dma_start3A = tpu.memref_slice %arg3[%add3A_6] : memref<645120xi32, #tpu.memory_space<hbm>> -> memref<120xi32, #tpu.memory_space<hbm>>
    %dma_start3A_7 = tpu.memref_slice %arg3[%add3A_6] : memref<645120xi32, #tpu.memory_space<hbm>> -> memref<120xi32, #tpu.memory_space<hbm>>
    tpu.enqueue_dma source(%dma_start3A_7 : memref<120xi32, #tpu.memory_space<hbm>>) target(%arg7 : memref<120xi32, #tpu.memory_space<vmem>>) target_semaphore(%arg19 : memref<!tpu.dma_semaphore, #tpu.memory_space<semaphore_mem>>)
    %dma_start3A_8 = tpu.memref_slice %arg4[%add3A_6] : memref<645120xi32, #tpu.memory_space<hbm>> -> memref<120xi32, #tpu.memory_space<hbm>>
    %dma_start3A_9 = tpu.memref_slice %arg4[%add3A_6] : memref<645120xi32, #tpu.memory_space<hbm>> -> memref<120xi32, #tpu.memory_space<hbm>>
    tpu.enqueue_dma source(%dma_start3A_9 : memref<120xi32, #tpu.memory_space<hbm>>) target(%arg11 : memref<120xi32, #tpu.memory_space<vmem>>) target_semaphore(%arg19 : memref<!tpu.dma_semaphore, #tpu.memory_space<semaphore_mem>>)
    %add3A_10 = arith.constant 120 : i32
    %add3A_11 = arith.addi %add3A, %add3A_10 : i32
    %dma_start3A_12 = tpu.memref_slice %arg3[%add3A_11] : memref<645120xi32, #tpu.memory_space<hbm>> -> memref<120xi32, #tpu.memory_space<hbm>>
    %dma_start3A_13 = tpu.memref_slice %arg3[%add3A_11] : memref<645120xi32, #tpu.memory_space<hbm>> -> memref<120xi32, #tpu.memory_space<hbm>>
    tpu.enqueue_dma source(%dma_start3A_13 : memref<120xi32, #tpu.memory_space<hbm>>) target(%arg8 : memref<120xi32, #tpu.memory_space<vmem>>) target_semaphore(%arg20 : memref<!tpu.dma_semaphore, #tpu.memory_space<semaphore_mem>>)
    %dma_start3A_14 = tpu.memref_slice %arg4[%add3A_11] : memref<645120xi32, #tpu.memory_space<hbm>> -> memref<120xi32, #tpu.memory_space<hbm>>
    %dma_start3A_15 = tpu.memref_slice %arg4[%add3A_11] : memref<645120xi32, #tpu.memory_space<hbm>> -> memref<120xi32, #tpu.memory_space<hbm>>
    tpu.enqueue_dma source(%dma_start3A_15 : memref<120xi32, #tpu.memory_space<hbm>>) target(%arg12 : memref<120xi32, #tpu.memory_space<vmem>>) target_semaphore(%arg20 : memref<!tpu.dma_semaphore, #tpu.memory_space<semaphore_mem>>)
    %add3A_16 = arith.constant 240 : i32
    %add3A_17 = arith.addi %add3A, %add3A_16 : i32
    %dma_start3A_18 = tpu.memref_slice %arg3[%add3A_17] : memref<645120xi32, #tpu.memory_space<hbm>> -> memref<120xi32, #tpu.memory_space<hbm>>
    %dma_start3A_19 = tpu.memref_slice %arg3[%add3A_17] : memref<645120xi32, #tpu.memory_space<hbm>> -> memref<120xi32, #tpu.memory_space<hbm>>
    tpu.enqueue_dma source(%dma_start3A_19 : memref<120xi32, #tpu.memory_space<hbm>>) target(%arg9 : memref<120xi32, #tpu.memory_space<vmem>>) target_semaphore(%arg21 : memref<!tpu.dma_semaphore, #tpu.memory_space<semaphore_mem>>)
    %dma_start3A_20 = tpu.memref_slice %arg4[%add3A_17] : memref<645120xi32, #tpu.memory_space<hbm>> -> memref<120xi32, #tpu.memory_space<hbm>>
    %dma_start3A_21 = tpu.memref_slice %arg4[%add3A_17] : memref<645120xi32, #tpu.memory_space<hbm>> -> memref<120xi32, #tpu.memory_space<hbm>>
    tpu.enqueue_dma source(%dma_start3A_21 : memref<120xi32, #tpu.memory_space<hbm>>) target(%arg13 : memref<120xi32, #tpu.memory_space<vmem>>) target_semaphore(%arg21 : memref<!tpu.dma_semaphore, #tpu.memory_space<semaphore_mem>>)
    "tpu.region"() ({
      %run_scoped3A = tpu.sem_alloc : memref<!tpu.dma_semaphore, #tpu.memory_space<semaphore_mem>>
      %dma_start3A_47 = arith.constant 0 : i32
      %dma_start3A_48 = tpu.memref_slice %arg18[%mul3A_0, %dma_start3A_47] : memref<10112x128xf32, #tpu.memory_space<vmem_shared>> -> memref<632x128xf32, #tpu.memory_space<vmem_shared>>
      %dma_start3A_49 = arith.constant 0 : i32
      %dma_start3A_50 = tpu.memref_slice %arg5[%mul3A_0, %dma_start3A_49] : memref<10112x128xf32, #tpu.memory_space<hbm>> -> memref<632x128xf32, #tpu.memory_space<hbm>>
      tpu.enqueue_dma source(%dma_start3A_50 : memref<632x128xf32, #tpu.memory_space<hbm>>) target(%dma_start3A_48 : memref<632x128xf32, #tpu.memory_space<vmem_shared>>) target_semaphore(%run_scoped3A : memref<!tpu.dma_semaphore, #tpu.memory_space<semaphore_mem>>)
      %dma_wait3A_51 = arith.constant 0 : i32
      %dma_wait3A_52 = tpu.memref_slice %arg18[%mul3A_0, %dma_wait3A_51] : memref<10112x128xf32, #tpu.memory_space<vmem_shared>> -> memref<632x128xf32, #tpu.memory_space<vmem_shared>>
      %dma_wait3A_53 = arith.constant 0 : i32
      %dma_wait3A_54 = tpu.memref_slice %arg5[%mul3A_0, %dma_wait3A_53] : memref<10112x128xf32, #tpu.memory_space<hbm>> -> memref<632x128xf32, #tpu.memory_space<hbm>>
      tpu.wait_dma2 semaphore(%run_scoped3A : memref<!tpu.dma_semaphore, #tpu.memory_space<semaphore_mem>>) src(%dma_wait3A_54 : memref<632x128xf32, #tpu.memory_space<hbm>>) dst(%dma_wait3A_52 : memref<632x128xf32, #tpu.memory_space<vmem_shared>>)
      tpu.yield
    }) : () -> ()
    %barrier3A = arith.constant 0 : index
    tpu.barrier barrier_id(%barrier3A)
    %add3A_22 = arith.constant 0 : i32
    %add3A_23 = arith.addi %add3A, %add3A_22 : i32
    %dma_wait3A = tpu.memref_slice %arg3[%add3A_23] : memref<645120xi32, #tpu.memory_space<hbm>> -> memref<120xi32, #tpu.memory_space<hbm>>
    %dma_wait3A_24 = tpu.memref_slice %arg3[%add3A_23] : memref<645120xi32, #tpu.memory_space<hbm>> -> memref<120xi32, #tpu.memory_space<hbm>>
    tpu.wait_dma2 semaphore(%arg19 : memref<!tpu.dma_semaphore, #tpu.memory_space<semaphore_mem>>) src(%dma_wait3A_24 : memref<120xi32, #tpu.memory_space<hbm>>) dst(%arg7 : memref<120xi32, #tpu.memory_space<vmem>>)
    %dma_wait3A_25 = tpu.memref_slice %arg4[%add3A_23] : memref<645120xi32, #tpu.memory_space<hbm>> -> memref<120xi32, #tpu.memory_space<hbm>>
    %dma_wait3A_26 = tpu.memref_slice %arg4[%add3A_23] : memref<645120xi32, #tpu.memory_space<hbm>> -> memref<120xi32, #tpu.memory_space<hbm>>
    tpu.wait_dma2 semaphore(%arg19 : memref<!tpu.dma_semaphore, #tpu.memory_space<semaphore_mem>>) src(%dma_wait3A_26 : memref<120xi32, #tpu.memory_space<hbm>>) dst(%arg11 : memref<120xi32, #tpu.memory_space<vmem>>)
    %dma_start3A_27 = arith.constant 0 : i32
    %dma_start3A_28 = arith.constant 0 : i32
    %dma_start3A_29 = tpu.memref_slice %arg2[%dma_start3A_27, %dma_start3A_28] : memref<20000x128xf32, #tpu.memory_space<hbm>> -> memref<20000x128xf32, #tpu.memory_space<hbm>>
    tpu.enqueue_indirect_dma source(%dma_start3A_29 : memref<20000x128xf32, #tpu.memory_space<hbm>>) target(%arg15 : memref<120x128xf32, #tpu.memory_space<vmem>>) offsets(%arg7 : memref<120xi32, #tpu.memory_space<vmem>>) semaphore(%arg23 : memref<!tpu.dma_semaphore, #tpu.memory_space<semaphore_mem>>)
    %add3A_30 = arith.constant 120 : i32
    %add3A_31 = arith.addi %add3A, %add3A_30 : i32
    %dma_wait3A_32 = tpu.memref_slice %arg3[%add3A_31] : memref<645120xi32, #tpu.memory_space<hbm>> -> memref<120xi32, #tpu.memory_space<hbm>>
    %dma_wait3A_33 = tpu.memref_slice %arg3[%add3A_31] : memref<645120xi32, #tpu.memory_space<hbm>> -> memref<120xi32, #tpu.memory_space<hbm>>
    tpu.wait_dma2 semaphore(%arg20 : memref<!tpu.dma_semaphore, #tpu.memory_space<semaphore_mem>>) src(%dma_wait3A_33 : memref<120xi32, #tpu.memory_space<hbm>>) dst(%arg8 : memref<120xi32, #tpu.memory_space<vmem>>)
    %dma_wait3A_34 = tpu.memref_slice %arg4[%add3A_31] : memref<645120xi32, #tpu.memory_space<hbm>> -> memref<120xi32, #tpu.memory_space<hbm>>
    %dma_wait3A_35 = tpu.memref_slice %arg4[%add3A_31] : memref<645120xi32, #tpu.memory_space<hbm>> -> memref<120xi32, #tpu.memory_space<hbm>>
    tpu.wait_dma2 semaphore(%arg20 : memref<!tpu.dma_semaphore, #tpu.memory_space<semaphore_mem>>) src(%dma_wait3A_35 : memref<120xi32, #tpu.memory_space<hbm>>) dst(%arg12 : memref<120xi32, #tpu.memory_space<vmem>>)
    %dma_start3A_36 = arith.constant 0 : i32
    %dma_start3A_37 = arith.constant 0 : i32
    %dma_start3A_38 = tpu.memref_slice %arg2[%dma_start3A_36, %dma_start3A_37] : memref<20000x128xf32, #tpu.memory_space<hbm>> -> memref<20000x128xf32, #tpu.memory_space<hbm>>
    tpu.enqueue_indirect_dma source(%dma_start3A_38 : memref<20000x128xf32, #tpu.memory_space<hbm>>) target(%arg16 : memref<120x128xf32, #tpu.memory_space<vmem>>) offsets(%arg8 : memref<120xi32, #tpu.memory_space<vmem>>) semaphore(%arg24 : memref<!tpu.dma_semaphore, #tpu.memory_space<semaphore_mem>>)
    %scan3A = arith.constant 0 : i32
    %scan3A_39 = arith.constant 14 : i32
    %scan3A_40 = arith.addi %scan3A, %scan3A_39 : i32
    %scan3A_41 = arith.constant 1 : i32
    scf.for %scan3A_47 = %scan3A to %scan3A_40 step %scan3A_41  : i32 {
      %mul3A_48 = arith.constant 1 : i32
      %mul3A_49 = arith.muli %scan3A_47, %mul3A_48 : i32
      %add3A_50 = arith.constant 0 : i32
      %add3A_51 = arith.addi %add3A_50, %mul3A_49 : i32
      %mul3A_52 = arith.constant 12 : i32
      %mul3A_53 = arith.muli %add3A_51, %mul3A_52 : i32
      %add3A_54 = arith.constant 0 : i32
      %add3A_55 = arith.addi %mul3A_53, %add3A_54 : i32
      %dma_wait3A_56 = arith.constant 0 : i32
      %dma_wait3A_57 = arith.constant 0 : i32
      %dma_wait3A_58 = tpu.memref_slice %arg2[%dma_wait3A_56, %dma_wait3A_57] : memref<20000x128xf32, #tpu.memory_space<hbm>> -> memref<20000x128xf32, #tpu.memory_space<hbm>>
      tpu.wait_indirect_dma semaphore(%arg23 : memref<!tpu.dma_semaphore, #tpu.memory_space<semaphore_mem>>) src(%dma_wait3A_58 : memref<20000x128xf32, #tpu.memory_space<hbm>>) dst(%arg15 : memref<120x128xf32, #tpu.memory_space<vmem>>)
      %dma_start3A_59 = arith.constant 0 : i32
      %dma_start3A_60 = arith.constant 0 : i32
      %dma_start3A_61 = tpu.memref_slice %arg18[%dma_start3A_59, %dma_start3A_60] : memref<10112x128xf32, #tpu.memory_space<vmem_shared>> -> memref<10112x128xf32, #tpu.memory_space<vmem_shared>>
      tpu.enqueue_indirect_dma source(%arg15 : memref<120x128xf32, #tpu.memory_space<vmem>>) target(%dma_start3A_61 : memref<10112x128xf32, #tpu.memory_space<vmem_shared>>) offsets(%arg11 : memref<120xi32, #tpu.memory_space<vmem>>) semaphore(%arg26 : memref<!tpu.dma_semaphore, #tpu.memory_space<semaphore_mem>>) {add = true}
      %ge3A = arith.constant 1 : i32
      %ge3A_62 = arith.cmpi sge, %add3A_55, %ge3A : i32
      %convert_element_type3A = arith.extui %ge3A_62 : i1 to i32
      %cond3A = arith.constant 0 : i32
      %cond3A_63 = arith.cmpi ne, %convert_element_type3A, %cond3A : i32
      scf.if %cond3A_63 {
        %dma_wait3A_396 = arith.constant 0 : i32
        %dma_wait3A_397 = arith.constant 0 : i32
        %dma_wait3A_398 = tpu.memref_slice %arg18[%dma_wait3A_396, %dma_wait3A_397] : memref<10112x128xf32, #tpu.memory_space<vmem_shared>> -> memref<10112x128xf32, #tpu.memory_space<vmem_shared>>
        tpu.wait_indirect_dma semaphore(%arg28 : memref<!tpu.dma_semaphore, #tpu.memory_space<semaphore_mem>>) src(%arg17 : memref<120x128xf32, #tpu.memory_space<vmem>>) dst(%dma_wait3A_398 : memref<10112x128xf32, #tpu.memory_space<vmem_shared>>)
      } else {
      }
      %add3A_64 = arith.constant 2 : i32
      %add3A_65 = arith.addi %add3A_55, %add3A_64 : i32
      %lt3A = arith.constant 168 : i32
      %lt3A_66 = arith.cmpi slt, %add3A_65, %lt3A : i32
      %convert_element_type3A_67 = arith.extui %lt3A_66 : i1 to i32
      %cond3A_68 = arith.constant 0 : i32
      %cond3A_69 = arith.cmpi ne, %convert_element_type3A_67, %cond3A_68 : i32
      scf.if %cond3A_69 {
        %add3A_396 = arith.constant 2 : i32
        %add3A_397 = arith.addi %add3A_55, %add3A_396 : i32
        %mul3A_398 = arith.constant 120 : i32
        %mul3A_399 = arith.muli %add3A_397, %mul3A_398 : i32
        %add3A_400 = arith.addi %add3A, %mul3A_399 : i32
        %dma_wait3A_401 = tpu.memref_slice %arg3[%add3A_400] : memref<645120xi32, #tpu.memory_space<hbm>> -> memref<120xi32, #tpu.memory_space<hbm>>
        %dma_wait3A_402 = tpu.memref_slice %arg3[%add3A_400] : memref<645120xi32, #tpu.memory_space<hbm>> -> memref<120xi32, #tpu.memory_space<hbm>>
        tpu.wait_dma2 semaphore(%arg21 : memref<!tpu.dma_semaphore, #tpu.memory_space<semaphore_mem>>) src(%dma_wait3A_402 : memref<120xi32, #tpu.memory_space<hbm>>) dst(%arg9 : memref<120xi32, #tpu.memory_space<vmem>>)
        %dma_wait3A_403 = tpu.memref_slice %arg4[%add3A_400] : memref<645120xi32, #tpu.memory_space<hbm>> -> memref<120xi32, #tpu.memory_space<hbm>>
        %dma_wait3A_404 = tpu.memref_slice %arg4[%add3A_400] : memref<645120xi32, #tpu.memory_space<hbm>> -> memref<120xi32, #tpu.memory_space<hbm>>
        tpu.wait_dma2 semaphore(%arg21 : memref<!tpu.dma_semaphore, #tpu.memory_space<semaphore_mem>>) src(%dma_wait3A_404 : memref<120xi32, #tpu.memory_space<hbm>>) dst(%arg13 : memref<120xi32, #tpu.memory_space<vmem>>)
        %dma_start3A_405 = arith.constant 0 : i32
        %dma_start3A_406 = arith.constant 0 : i32
        %dma_start3A_407 = tpu.memref_slice %arg2[%dma_start3A_405, %dma_start3A_406] : memref<20000x128xf32, #tpu.memory_space<hbm>> -> memref<20000x128xf32, #tpu.memory_space<hbm>>
        tpu.enqueue_indirect_dma source(%dma_start3A_407 : memref<20000x128xf32, #tpu.memory_space<hbm>>) target(%arg17 : memref<120x128xf32, #tpu.memory_space<vmem>>) offsets(%arg9 : memref<120xi32, #tpu.memory_space<vmem>>) semaphore(%arg25 : memref<!tpu.dma_semaphore, #tpu.memory_space<semaphore_mem>>)
      } else {
      }
      %add3A_70 = arith.constant 3 : i32
      %add3A_71 = arith.addi %add3A_55, %add3A_70 : i32
      %lt3A_72 = arith.constant 168 : i32
      %lt3A_73 = arith.cmpi slt, %add3A_71, %lt3A_72 : i32
      %convert_element_type3A_74 = arith.extui %lt3A_73 : i1 to i32
      %cond3A_75 = arith.constant 0 : i32
      %cond3A_76 = arith.cmpi ne, %convert_element_type3A_74, %cond3A_75 : i32
      scf.if %cond3A_76 {
        %add3A_396 = arith.constant 3 : i32
        %add3A_397 = arith.addi %add3A_55, %add3A_396 : i32
        %mul3A_398 = arith.constant 120 : i32
        %mul3A_399 = arith.muli %add3A_397, %mul3A_398 : i32
        %add3A_400 = arith.addi %add3A, %mul3A_399 : i32
        %dma_start3A_401 = tpu.memref_slice %arg3[%add3A_400] : memref<645120xi32, #tpu.memory_space<hbm>> -> memref<120xi32, #tpu.memory_space<hbm>>
        %dma_start3A_402 = tpu.memref_slice %arg3[%add3A_400] : memref<645120xi32, #tpu.memory_space<hbm>> -> memref<120xi32, #tpu.memory_space<hbm>>
        tpu.enqueue_dma source(%dma_start3A_402 : memref<120xi32, #tpu.memory_space<hbm>>) target(%arg10 : memref<120xi32, #tpu.memory_space<vmem>>) target_semaphore(%arg22 : memref<!tpu.dma_semaphore, #tpu.memory_space<semaphore_mem>>)
        %dma_start3A_403 = tpu.memref_slice %arg4[%add3A_400] : memref<645120xi32, #tpu.memory_space<hbm>> -> memref<120xi32, #tpu.memory_space<hbm>>
        %dma_start3A_404 = tpu.memref_slice %arg4[%add3A_400] : memref<645120xi32, #tpu.memory_space<hbm>> -> memref<120xi32, #tpu.memory_space<hbm>>
        tpu.enqueue_dma source(%dma_start3A_404 : memref<120xi32, #tpu.memory_space<hbm>>) target(%arg14 : memref<120xi32, #tpu.memory_space<vmem>>) target_semaphore(%arg22 : memref<!tpu.dma_semaphore, #tpu.memory_space<semaphore_mem>>)
      } else {
      }
      %mul3A_77 = arith.constant 12 : i32
      %mul3A_78 = arith.muli %add3A_51, %mul3A_77 : i32
      %add3A_79 = arith.constant 1 : i32
      %add3A_80 = arith.addi %mul3A_78, %add3A_79 : i32
      %dma_wait3A_81 = arith.constant 0 : i32
      %dma_wait3A_82 = arith.constant 0 : i32
      %dma_wait3A_83 = tpu.memref_slice %arg2[%dma_wait3A_81, %dma_wait3A_82] : memref<20000x128xf32, #tpu.memory_space<hbm>> -> memref<20000x128xf32, #tpu.memory_space<hbm>>
      tpu.wait_indirect_dma semaphore(%arg24 : memref<!tpu.dma_semaphore, #tpu.memory_space<semaphore_mem>>) src(%dma_wait3A_83 : memref<20000x128xf32, #tpu.memory_space<hbm>>) dst(%arg16 : memref<120x128xf32, #tpu.memory_space<vmem>>)
      %dma_start3A_84 = arith.constant 0 : i32
      %dma_start3A_85 = arith.constant 0 : i32
      %dma_start3A_86 = tpu.memref_slice %arg18[%dma_start3A_84, %dma_start3A_85] : memref<10112x128xf32, #tpu.memory_space<vmem_shared>> -> memref<10112x128xf32, #tpu.memory_space<vmem_shared>>
      tpu.enqueue_indirect_dma source(%arg16 : memref<120x128xf32, #tpu.memory_space<vmem>>) target(%dma_start3A_86 : memref<10112x128xf32, #tpu.memory_space<vmem_shared>>) offsets(%arg12 : memref<120xi32, #tpu.memory_space<vmem>>) semaphore(%arg27 : memref<!tpu.dma_semaphore, #tpu.memory_space<semaphore_mem>>) {add = true}
      %ge3A_87 = arith.constant 1 : i32
      %ge3A_88 = arith.cmpi sge, %add3A_80, %ge3A_87 : i32
      %convert_element_type3A_89 = arith.extui %ge3A_88 : i1 to i32
      %cond3A_90 = arith.constant 0 : i32
      %cond3A_91 = arith.cmpi ne, %convert_element_type3A_89, %cond3A_90 : i32
      scf.if %cond3A_91 {
        %dma_wait3A_396 = arith.constant 0 : i32
        %dma_wait3A_397 = arith.constant 0 : i32
        %dma_wait3A_398 = tpu.memref_slice %arg18[%dma_wait3A_396, %dma_wait3A_397] : memref<10112x128xf32, #tpu.memory_space<vmem_shared>> -> memref<10112x128xf32, #tpu.memory_space<vmem_shared>>
        tpu.wait_indirect_dma semaphore(%arg26 : memref<!tpu.dma_semaphore, #tpu.memory_space<semaphore_mem>>) src(%arg15 : memref<120x128xf32, #tpu.memory_space<vmem>>) dst(%dma_wait3A_398 : memref<10112x128xf32, #tpu.memory_space<vmem_shared>>)
      } else {
      }
      %add3A_92 = arith.constant 2 : i32
      %add3A_93 = arith.addi %add3A_80, %add3A_92 : i32
      %lt3A_94 = arith.constant 168 : i32
      %lt3A_95 = arith.cmpi slt, %add3A_93, %lt3A_94 : i32
      %convert_element_type3A_96 = arith.extui %lt3A_95 : i1 to i32
      %cond3A_97 = arith.constant 0 : i32
      %cond3A_98 = arith.cmpi ne, %convert_element_type3A_96, %cond3A_97 : i32
      scf.if %cond3A_98 {
        %add3A_396 = arith.constant 2 : i32
        %add3A_397 = arith.addi %add3A_80, %add3A_396 : i32
        %mul3A_398 = arith.constant 120 : i32
        %mul3A_399 = arith.muli %add3A_397, %mul3A_398 : i32
        %add3A_400 = arith.addi %add3A, %mul3A_399 : i32
        %dma_wait3A_401 = tpu.memref_slice %arg3[%add3A_400] : memref<645120xi32, #tpu.memory_space<hbm>> -> memref<120xi32, #tpu.memory_space<hbm>>
        %dma_wait3A_402 = tpu.memref_slice %arg3[%add3A_400] : memref<645120xi32, #tpu.memory_space<hbm>> -> memref<120xi32, #tpu.memory_space<hbm>>
        tpu.wait_dma2 semaphore(%arg22 : memref<!tpu.dma_semaphore, #tpu.memory_space<semaphore_mem>>) src(%dma_wait3A_402 : memref<120xi32, #tpu.memory_space<hbm>>) dst(%arg10 : memref<120xi32, #tpu.memory_space<vmem>>)
        %dma_wait3A_403 = tpu.memref_slice %arg4[%add3A_400] : memref<645120xi32, #tpu.memory_space<hbm>> -> memref<120xi32, #tpu.memory_space<hbm>>
        %dma_wait3A_404 = tpu.memref_slice %arg4[%add3A_400] : memref<645120xi32, #tpu.memory_space<hbm>> -> memref<120xi32, #tpu.memory_space<hbm>>
        tpu.wait_dma2 semaphore(%arg22 : memref<!tpu.dma_semaphore, #tpu.memory_space<semaphore_mem>>) src(%dma_wait3A_404 : memref<120xi32, #tpu.memory_space<hbm>>) dst(%arg14 : memref<120xi32, #tpu.memory_space<vmem>>)
        %dma_start3A_405 = arith.constant 0 : i32
        %dma_start3A_406 = arith.constant 0 : i32
        %dma_start3A_407 = tpu.memref_slice %arg2[%dma_start3A_405, %dma_start3A_406] : memref<20000x128xf32, #tpu.memory_space<hbm>> -> memref<20000x128xf32, #tpu.memory_space<hbm>>
        tpu.enqueue_indirect_dma source(%dma_start3A_407 : memref<20000x128xf32, #tpu.memory_space<hbm>>) target(%arg15 : memref<120x128xf32, #tpu.memory_space<vmem>>) offsets(%arg10 : memref<120xi32, #tpu.memory_space<vmem>>) semaphore(%arg23 : memref<!tpu.dma_semaphore, #tpu.memory_space<semaphore_mem>>)
      } else {
      }
      %add3A_99 = arith.constant 3 : i32
      %add3A_100 = arith.addi %add3A_80, %add3A_99 : i32
      %lt3A_101 = arith.constant 168 : i32
      %lt3A_102 = arith.cmpi slt, %add3A_100, %lt3A_101 : i32
      %convert_element_type3A_103 = arith.extui %lt3A_102 : i1 to i32
      %cond3A_104 = arith.constant 0 : i32
      %cond3A_105 = arith.cmpi ne, %convert_element_type3A_103, %cond3A_104 : i32
      scf.if %cond3A_105 {
        %add3A_396 = arith.constant 3 : i32
        %add3A_397 = arith.addi %add3A_80, %add3A_396 : i32
        %mul3A_398 = arith.constant 120 : i32
        %mul3A_399 = arith.muli %add3A_397, %mul3A_398 : i32
        %add3A_400 = arith.addi %add3A, %mul3A_399 : i32
        %dma_start3A_401 = tpu.memref_slice %arg3[%add3A_400] : memref<645120xi32, #tpu.memory_space<hbm>> -> memref<120xi32, #tpu.memory_space<hbm>>
        %dma_start3A_402 = tpu.memref_slice %arg3[%add3A_400] : memref<645120xi32, #tpu.memory_space<hbm>> -> memref<120xi32, #tpu.memory_space<hbm>>
        tpu.enqueue_dma source(%dma_start3A_402 : memref<120xi32, #tpu.memory_space<hbm>>) target(%arg7 : memref<120xi32, #tpu.memory_space<vmem>>) target_semaphore(%arg19 : memref<!tpu.dma_semaphore, #tpu.memory_space<semaphore_mem>>)
        %dma_start3A_403 = tpu.memref_slice %arg4[%add3A_400] : memref<645120xi32, #tpu.memory_space<hbm>> -> memref<120xi32, #tpu.memory_space<hbm>>
        %dma_start3A_404 = tpu.memref_slice %arg4[%add3A_400] : memref<645120xi32, #tpu.memory_space<hbm>> -> memref<120xi32, #tpu.memory_space<hbm>>
        tpu.enqueue_dma source(%dma_start3A_404 : memref<120xi32, #tpu.memory_space<hbm>>) target(%arg11 : memref<120xi32, #tpu.memory_space<vmem>>) target_semaphore(%arg19 : memref<!tpu.dma_semaphore, #tpu.memory_space<semaphore_mem>>)
      } else {
      }
      %mul3A_106 = arith.constant 12 : i32
      %mul3A_107 = arith.muli %add3A_51, %mul3A_106 : i32
      %add3A_108 = arith.constant 2 : i32
      %add3A_109 = arith.addi %mul3A_107, %add3A_108 : i32
      %dma_wait3A_110 = arith.constant 0 : i32
      %dma_wait3A_111 = arith.constant 0 : i32
      %dma_wait3A_112 = tpu.memref_slice %arg2[%dma_wait3A_110, %dma_wait3A_111] : memref<20000x128xf32, #tpu.memory_space<hbm>> -> memref<20000x128xf32, #tpu.memory_space<hbm>>
      tpu.wait_indirect_dma semaphore(%arg25 : memref<!tpu.dma_semaphore, #tpu.memory_space<semaphore_mem>>) src(%dma_wait3A_112 : memref<20000x128xf32, #tpu.memory_space<hbm>>) dst(%arg17 : memref<120x128xf32, #tpu.memory_space<vmem>>)
      %dma_start3A_113 = arith.constant 0 : i32
      %dma_start3A_114 = arith.constant 0 : i32
      %dma_start3A_115 = tpu.memref_slice %arg18[%dma_start3A_113, %dma_start3A_114] : memref<10112x128xf32, #tpu.memory_space<vmem_shared>> -> memref<10112x128xf32, #tpu.memory_space<vmem_shared>>
      tpu.enqueue_indirect_dma source(%arg17 : memref<120x128xf32, #tpu.memory_space<vmem>>) target(%dma_start3A_115 : memref<10112x128xf32, #tpu.memory_space<vmem_shared>>) offsets(%arg13 : memref<120xi32, #tpu.memory_space<vmem>>) semaphore(%arg28 : memref<!tpu.dma_semaphore, #tpu.memory_space<semaphore_mem>>) {add = true}
      %ge3A_116 = arith.constant 1 : i32
      %ge3A_117 = arith.cmpi sge, %add3A_109, %ge3A_116 : i32
      %convert_element_type3A_118 = arith.extui %ge3A_117 : i1 to i32
      %cond3A_119 = arith.constant 0 : i32
      %cond3A_120 = arith.cmpi ne, %convert_element_type3A_118, %cond3A_119 : i32
      scf.if %cond3A_120 {
        %dma_wait3A_396 = arith.constant 0 : i32
        %dma_wait3A_397 = arith.constant 0 : i32
        %dma_wait3A_398 = tpu.memref_slice %arg18[%dma_wait3A_396, %dma_wait3A_397] : memref<10112x128xf32, #tpu.memory_space<vmem_shared>> -> memref<10112x128xf32, #tpu.memory_space<vmem_shared>>
        tpu.wait_indirect_dma semaphore(%arg27 : memref<!tpu.dma_semaphore, #tpu.memory_space<semaphore_mem>>) src(%arg16 : memref<120x128xf32, #tpu.memory_space<vmem>>) dst(%dma_wait3A_398 : memref<10112x128xf32, #tpu.memory_space<vmem_shared>>)
      } else {
      }
      %add3A_121 = arith.constant 2 : i32
      %add3A_122 = arith.addi %add3A_109, %add3A_121 : i32
      %lt3A_123 = arith.constant 168 : i32
      %lt3A_124 = arith.cmpi slt, %add3A_122, %lt3A_123 : i32
      %convert_element_type3A_125 = arith.extui %lt3A_124 : i1 to i32
      %cond3A_126 = arith.constant 0 : i32
      %cond3A_127 = arith.cmpi ne, %convert_element_type3A_125, %cond3A_126 : i32
      scf.if %cond3A_127 {
        %add3A_396 = arith.constant 2 : i32
        %add3A_397 = arith.addi %add3A_109, %add3A_396 : i32
        %mul3A_398 = arith.constant 120 : i32
        %mul3A_399 = arith.muli %add3A_397, %mul3A_398 : i32
        %add3A_400 = arith.addi %add3A, %mul3A_399 : i32
        %dma_wait3A_401 = tpu.memref_slice %arg3[%add3A_400] : memref<645120xi32, #tpu.memory_space<hbm>> -> memref<120xi32, #tpu.memory_space<hbm>>
        %dma_wait3A_402 = tpu.memref_slice %arg3[%add3A_400] : memref<645120xi32, #tpu.memory_space<hbm>> -> memref<120xi32, #tpu.memory_space<hbm>>
        tpu.wait_dma2 semaphore(%arg19 : memref<!tpu.dma_semaphore, #tpu.memory_space<semaphore_mem>>) src(%dma_wait3A_402 : memref<120xi32, #tpu.memory_space<hbm>>) dst(%arg7 : memref<120xi32, #tpu.memory_space<vmem>>)
        %dma_wait3A_403 = tpu.memref_slice %arg4[%add3A_400] : memref<645120xi32, #tpu.memory_space<hbm>> -> memref<120xi32, #tpu.memory_space<hbm>>
        %dma_wait3A_404 = tpu.memref_slice %arg4[%add3A_400] : memref<645120xi32, #tpu.memory_space<hbm>> -> memref<120xi32, #tpu.memory_space<hbm>>
        tpu.wait_dma2 semaphore(%arg19 : memref<!tpu.dma_semaphore, #tpu.memory_space<semaphore_mem>>) src(%dma_wait3A_404 : memref<120xi32, #tpu.memory_space<hbm>>) dst(%arg11 : memref<120xi32, #tpu.memory_space<vmem>>)
        %dma_start3A_405 = arith.constant 0 : i32
        %dma_start3A_406 = arith.constant 0 : i32
        %dma_start3A_407 = tpu.memref_slice %arg2[%dma_start3A_405, %dma_start3A_406] : memref<20000x128xf32, #tpu.memory_space<hbm>> -> memref<20000x128xf32, #tpu.memory_space<hbm>>
        tpu.enqueue_indirect_dma source(%dma_start3A_407 : memref<20000x128xf32, #tpu.memory_space<hbm>>) target(%arg16 : memref<120x128xf32, #tpu.memory_space<vmem>>) offsets(%arg7 : memref<120xi32, #tpu.memory_space<vmem>>) semaphore(%arg24 : memref<!tpu.dma_semaphore, #tpu.memory_space<semaphore_mem>>)
      } else {
      }
      %add3A_128 = arith.constant 3 : i32
      %add3A_129 = arith.addi %add3A_109, %add3A_128 : i32
      %lt3A_130 = arith.constant 168 : i32
      %lt3A_131 = arith.cmpi slt, %add3A_129, %lt3A_130 : i32
      %convert_element_type3A_132 = arith.extui %lt3A_131 : i1 to i32
      %cond3A_133 = arith.constant 0 : i32
      %cond3A_134 = arith.cmpi ne, %convert_element_type3A_132, %cond3A_133 : i32
      scf.if %cond3A_134 {
        %add3A_396 = arith.constant 3 : i32
        %add3A_397 = arith.addi %add3A_109, %add3A_396 : i32
        %mul3A_398 = arith.constant 120 : i32
        %mul3A_399 = arith.muli %add3A_397, %mul3A_398 : i32
        %add3A_400 = arith.addi %add3A, %mul3A_399 : i32
        %dma_start3A_401 = tpu.memref_slice %arg3[%add3A_400] : memref<645120xi32, #tpu.memory_space<hbm>> -> memref<120xi32, #tpu.memory_space<hbm>>
        %dma_start3A_402 = tpu.memref_slice %arg3[%add3A_400] : memref<645120xi32, #tpu.memory_space<hbm>> -> memref<120xi32, #tpu.memory_space<hbm>>
        tpu.enqueue_dma source(%dma_start3A_402 : memref<120xi32, #tpu.memory_space<hbm>>) target(%arg8 : memref<120xi32, #tpu.memory_space<vmem>>) target_semaphore(%arg20 : memref<!tpu.dma_semaphore, #tpu.memory_space<semaphore_mem>>)
        %dma_start3A_403 = tpu.memref_slice %arg4[%add3A_400] : memref<645120xi32, #tpu.memory_space<hbm>> -> memref<120xi32, #tpu.memory_space<hbm>>
        %dma_start3A_404 = tpu.memref_slice %arg4[%add3A_400] : memref<645120xi32, #tpu.memory_space<hbm>> -> memref<120xi32, #tpu.memory_space<hbm>>
        tpu.enqueue_dma source(%dma_start3A_404 : memref<120xi32, #tpu.memory_space<hbm>>) target(%arg12 : memref<120xi32, #tpu.memory_space<vmem>>) target_semaphore(%arg20 : memref<!tpu.dma_semaphore, #tpu.memory_space<semaphore_mem>>)
      } else {
      }
      %mul3A_135 = arith.constant 12 : i32
      %mul3A_136 = arith.muli %add3A_51, %mul3A_135 : i32
      %add3A_137 = arith.constant 3 : i32
      %add3A_138 = arith.addi %mul3A_136, %add3A_137 : i32
      %dma_wait3A_139 = arith.constant 0 : i32
      %dma_wait3A_140 = arith.constant 0 : i32
      %dma_wait3A_141 = tpu.memref_slice %arg2[%dma_wait3A_139, %dma_wait3A_140] : memref<20000x128xf32, #tpu.memory_space<hbm>> -> memref<20000x128xf32, #tpu.memory_space<hbm>>
      tpu.wait_indirect_dma semaphore(%arg23 : memref<!tpu.dma_semaphore, #tpu.memory_space<semaphore_mem>>) src(%dma_wait3A_141 : memref<20000x128xf32, #tpu.memory_space<hbm>>) dst(%arg15 : memref<120x128xf32, #tpu.memory_space<vmem>>)
      %dma_start3A_142 = arith.constant 0 : i32
      %dma_start3A_143 = arith.constant 0 : i32
      %dma_start3A_144 = tpu.memref_slice %arg18[%dma_start3A_142, %dma_start3A_143] : memref<10112x128xf32, #tpu.memory_space<vmem_shared>> -> memref<10112x128xf32, #tpu.memory_space<vmem_shared>>
      tpu.enqueue_indirect_dma source(%arg15 : memref<120x128xf32, #tpu.memory_space<vmem>>) target(%dma_start3A_144 : memref<10112x128xf32, #tpu.memory_space<vmem_shared>>) offsets(%arg14 : memref<120xi32, #tpu.memory_space<vmem>>) semaphore(%arg26 : memref<!tpu.dma_semaphore, #tpu.memory_space<semaphore_mem>>) {add = true}
      %ge3A_145 = arith.constant 1 : i32
      %ge3A_146 = arith.cmpi sge, %add3A_138, %ge3A_145 : i32
      %convert_element_type3A_147 = arith.extui %ge3A_146 : i1 to i32
      %cond3A_148 = arith.constant 0 : i32
      %cond3A_149 = arith.cmpi ne, %convert_element_type3A_147, %cond3A_148 : i32
      scf.if %cond3A_149 {
        %dma_wait3A_396 = arith.constant 0 : i32
        %dma_wait3A_397 = arith.constant 0 : i32
        %dma_wait3A_398 = tpu.memref_slice %arg18[%dma_wait3A_396, %dma_wait3A_397] : memref<10112x128xf32, #tpu.memory_space<vmem_shared>> -> memref<10112x128xf32, #tpu.memory_space<vmem_shared>>
        tpu.wait_indirect_dma semaphore(%arg28 : memref<!tpu.dma_semaphore, #tpu.memory_space<semaphore_mem>>) src(%arg17 : memref<120x128xf32, #tpu.memory_space<vmem>>) dst(%dma_wait3A_398 : memref<10112x128xf32, #tpu.memory_space<vmem_shared>>)
      } else {
      }
      %add3A_150 = arith.constant 2 : i32
      %add3A_151 = arith.addi %add3A_138, %add3A_150 : i32
      %lt3A_152 = arith.constant 168 : i32
      %lt3A_153 = arith.cmpi slt, %add3A_151, %lt3A_152 : i32
      %convert_element_type3A_154 = arith.extui %lt3A_153 : i1 to i32
      %cond3A_155 = arith.constant 0 : i32
      %cond3A_156 = arith.cmpi ne, %convert_element_type3A_154, %cond3A_155 : i32
      scf.if %cond3A_156 {
        %add3A_396 = arith.constant 2 : i32
        %add3A_397 = arith.addi %add3A_138, %add3A_396 : i32
        %mul3A_398 = arith.constant 120 : i32
        %mul3A_399 = arith.muli %add3A_397, %mul3A_398 : i32
        %add3A_400 = arith.addi %add3A, %mul3A_399 : i32
        %dma_wait3A_401 = tpu.memref_slice %arg3[%add3A_400] : memref<645120xi32, #tpu.memory_space<hbm>> -> memref<120xi32, #tpu.memory_space<hbm>>
        %dma_wait3A_402 = tpu.memref_slice %arg3[%add3A_400] : memref<645120xi32, #tpu.memory_space<hbm>> -> memref<120xi32, #tpu.memory_space<hbm>>
        tpu.wait_dma2 semaphore(%arg20 : memref<!tpu.dma_semaphore, #tpu.memory_space<semaphore_mem>>) src(%dma_wait3A_402 : memref<120xi32, #tpu.memory_space<hbm>>) dst(%arg8 : memref<120xi32, #tpu.memory_space<vmem>>)
        %dma_wait3A_403 = tpu.memref_slice %arg4[%add3A_400] : memref<645120xi32, #tpu.memory_space<hbm>> -> memref<120xi32, #tpu.memory_space<hbm>>
        %dma_wait3A_404 = tpu.memref_slice %arg4[%add3A_400] : memref<645120xi32, #tpu.memory_space<hbm>> -> memref<120xi32, #tpu.memory_space<hbm>>
        tpu.wait_dma2 semaphore(%arg20 : memref<!tpu.dma_semaphore, #tpu.memory_space<semaphore_mem>>) src(%dma_wait3A_404 : memref<120xi32, #tpu.memory_space<hbm>>) dst(%arg12 : memref<120xi32, #tpu.memory_space<vmem>>)
        %dma_start3A_405 = arith.constant 0 : i32
        %dma_start3A_406 = arith.constant 0 : i32
        %dma_start3A_407 = tpu.memref_slice %arg2[%dma_start3A_405, %dma_start3A_406] : memref<20000x128xf32, #tpu.memory_space<hbm>> -> memref<20000x128xf32, #tpu.memory_space<hbm>>
        tpu.enqueue_indirect_dma source(%dma_start3A_407 : memref<20000x128xf32, #tpu.memory_space<hbm>>) target(%arg17 : memref<120x128xf32, #tpu.memory_space<vmem>>) offsets(%arg8 : memref<120xi32, #tpu.memory_space<vmem>>) semaphore(%arg25 : memref<!tpu.dma_semaphore, #tpu.memory_space<semaphore_mem>>)
      } else {
      }
      %add3A_157 = arith.constant 3 : i32
      %add3A_158 = arith.addi %add3A_138, %add3A_157 : i32
      %lt3A_159 = arith.constant 168 : i32
      %lt3A_160 = arith.cmpi slt, %add3A_158, %lt3A_159 : i32
      %convert_element_type3A_161 = arith.extui %lt3A_160 : i1 to i32
      %cond3A_162 = arith.constant 0 : i32
      %cond3A_163 = arith.cmpi ne, %convert_element_type3A_161, %cond3A_162 : i32
      scf.if %cond3A_163 {
        %add3A_396 = arith.constant 3 : i32
        %add3A_397 = arith.addi %add3A_138, %add3A_396 : i32
        %mul3A_398 = arith.constant 120 : i32
        %mul3A_399 = arith.muli %add3A_397, %mul3A_398 : i32
        %add3A_400 = arith.addi %add3A, %mul3A_399 : i32
        %dma_start3A_401 = tpu.memref_slice %arg3[%add3A_400] : memref<645120xi32, #tpu.memory_space<hbm>> -> memref<120xi32, #tpu.memory_space<hbm>>
        %dma_start3A_402 = tpu.memref_slice %arg3[%add3A_400] : memref<645120xi32, #tpu.memory_space<hbm>> -> memref<120xi32, #tpu.memory_space<hbm>>
        tpu.enqueue_dma source(%dma_start3A_402 : memref<120xi32, #tpu.memory_space<hbm>>) target(%arg9 : memref<120xi32, #tpu.memory_space<vmem>>) target_semaphore(%arg21 : memref<!tpu.dma_semaphore, #tpu.memory_space<semaphore_mem>>)
        %dma_start3A_403 = tpu.memref_slice %arg4[%add3A_400] : memref<645120xi32, #tpu.memory_space<hbm>> -> memref<120xi32, #tpu.memory_space<hbm>>
        %dma_start3A_404 = tpu.memref_slice %arg4[%add3A_400] : memref<645120xi32, #tpu.memory_space<hbm>> -> memref<120xi32, #tpu.memory_space<hbm>>
        tpu.enqueue_dma source(%dma_start3A_404 : memref<120xi32, #tpu.memory_space<hbm>>) target(%arg13 : memref<120xi32, #tpu.memory_space<vmem>>) target_semaphore(%arg21 : memref<!tpu.dma_semaphore, #tpu.memory_space<semaphore_mem>>)
      } else {
      }
      %mul3A_164 = arith.constant 12 : i32
      %mul3A_165 = arith.muli %add3A_51, %mul3A_164 : i32
      %add3A_166 = arith.constant 4 : i32
      %add3A_167 = arith.addi %mul3A_165, %add3A_166 : i32
      %dma_wait3A_168 = arith.constant 0 : i32
      %dma_wait3A_169 = arith.constant 0 : i32
      %dma_wait3A_170 = tpu.memref_slice %arg2[%dma_wait3A_168, %dma_wait3A_169] : memref<20000x128xf32, #tpu.memory_space<hbm>> -> memref<20000x128xf32, #tpu.memory_space<hbm>>
      tpu.wait_indirect_dma semaphore(%arg24 : memref<!tpu.dma_semaphore, #tpu.memory_space<semaphore_mem>>) src(%dma_wait3A_170 : memref<20000x128xf32, #tpu.memory_space<hbm>>) dst(%arg16 : memref<120x128xf32, #tpu.memory_space<vmem>>)
      %dma_start3A_171 = arith.constant 0 : i32
      %dma_start3A_172 = arith.constant 0 : i32
      %dma_start3A_173 = tpu.memref_slice %arg18[%dma_start3A_171, %dma_start3A_172] : memref<10112x128xf32, #tpu.memory_space<vmem_shared>> -> memref<10112x128xf32, #tpu.memory_space<vmem_shared>>
      tpu.enqueue_indirect_dma source(%arg16 : memref<120x128xf32, #tpu.memory_space<vmem>>) target(%dma_start3A_173 : memref<10112x128xf32, #tpu.memory_space<vmem_shared>>) offsets(%arg11 : memref<120xi32, #tpu.memory_space<vmem>>) semaphore(%arg27 : memref<!tpu.dma_semaphore, #tpu.memory_space<semaphore_mem>>) {add = true}
      %ge3A_174 = arith.constant 1 : i32
      %ge3A_175 = arith.cmpi sge, %add3A_167, %ge3A_174 : i32
      %convert_element_type3A_176 = arith.extui %ge3A_175 : i1 to i32
      %cond3A_177 = arith.constant 0 : i32
      %cond3A_178 = arith.cmpi ne, %convert_element_type3A_176, %cond3A_177 : i32
      scf.if %cond3A_178 {
        %dma_wait3A_396 = arith.constant 0 : i32
        %dma_wait3A_397 = arith.constant 0 : i32
        %dma_wait3A_398 = tpu.memref_slice %arg18[%dma_wait3A_396, %dma_wait3A_397] : memref<10112x128xf32, #tpu.memory_space<vmem_shared>> -> memref<10112x128xf32, #tpu.memory_space<vmem_shared>>
        tpu.wait_indirect_dma semaphore(%arg26 : memref<!tpu.dma_semaphore, #tpu.memory_space<semaphore_mem>>) src(%arg15 : memref<120x128xf32, #tpu.memory_space<vmem>>) dst(%dma_wait3A_398 : memref<10112x128xf32, #tpu.memory_space<vmem_shared>>)
      } else {
      }
      %add3A_179 = arith.constant 2 : i32
      %add3A_180 = arith.addi %add3A_167, %add3A_179 : i32
      %lt3A_181 = arith.constant 168 : i32
      %lt3A_182 = arith.cmpi slt, %add3A_180, %lt3A_181 : i32
      %convert_element_type3A_183 = arith.extui %lt3A_182 : i1 to i32
      %cond3A_184 = arith.constant 0 : i32
      %cond3A_185 = arith.cmpi ne, %convert_element_type3A_183, %cond3A_184 : i32
      scf.if %cond3A_185 {
        %add3A_396 = arith.constant 2 : i32
        %add3A_397 = arith.addi %add3A_167, %add3A_396 : i32
        %mul3A_398 = arith.constant 120 : i32
        %mul3A_399 = arith.muli %add3A_397, %mul3A_398 : i32
        %add3A_400 = arith.addi %add3A, %mul3A_399 : i32
        %dma_wait3A_401 = tpu.memref_slice %arg3[%add3A_400] : memref<645120xi32, #tpu.memory_space<hbm>> -> memref<120xi32, #tpu.memory_space<hbm>>
        %dma_wait3A_402 = tpu.memref_slice %arg3[%add3A_400] : memref<645120xi32, #tpu.memory_space<hbm>> -> memref<120xi32, #tpu.memory_space<hbm>>
        tpu.wait_dma2 semaphore(%arg21 : memref<!tpu.dma_semaphore, #tpu.memory_space<semaphore_mem>>) src(%dma_wait3A_402 : memref<120xi32, #tpu.memory_space<hbm>>) dst(%arg9 : memref<120xi32, #tpu.memory_space<vmem>>)
        %dma_wait3A_403 = tpu.memref_slice %arg4[%add3A_400] : memref<645120xi32, #tpu.memory_space<hbm>> -> memref<120xi32, #tpu.memory_space<hbm>>
        %dma_wait3A_404 = tpu.memref_slice %arg4[%add3A_400] : memref<645120xi32, #tpu.memory_space<hbm>> -> memref<120xi32, #tpu.memory_space<hbm>>
        tpu.wait_dma2 semaphore(%arg21 : memref<!tpu.dma_semaphore, #tpu.memory_space<semaphore_mem>>) src(%dma_wait3A_404 : memref<120xi32, #tpu.memory_space<hbm>>) dst(%arg13 : memref<120xi32, #tpu.memory_space<vmem>>)
        %dma_start3A_405 = arith.constant 0 : i32
        %dma_start3A_406 = arith.constant 0 : i32
        %dma_start3A_407 = tpu.memref_slice %arg2[%dma_start3A_405, %dma_start3A_406] : memref<20000x128xf32, #tpu.memory_space<hbm>> -> memref<20000x128xf32, #tpu.memory_space<hbm>>
        tpu.enqueue_indirect_dma source(%dma_start3A_407 : memref<20000x128xf32, #tpu.memory_space<hbm>>) target(%arg15 : memref<120x128xf32, #tpu.memory_space<vmem>>) offsets(%arg9 : memref<120xi32, #tpu.memory_space<vmem>>) semaphore(%arg23 : memref<!tpu.dma_semaphore, #tpu.memory_space<semaphore_mem>>)
      } else {
      }
      %add3A_186 = arith.constant 3 : i32
      %add3A_187 = arith.addi %add3A_167, %add3A_186 : i32
      %lt3A_188 = arith.constant 168 : i32
      %lt3A_189 = arith.cmpi slt, %add3A_187, %lt3A_188 : i32
      %convert_element_type3A_190 = arith.extui %lt3A_189 : i1 to i32
      %cond3A_191 = arith.constant 0 : i32
      %cond3A_192 = arith.cmpi ne, %convert_element_type3A_190, %cond3A_191 : i32
      scf.if %cond3A_192 {
        %add3A_396 = arith.constant 3 : i32
        %add3A_397 = arith.addi %add3A_167, %add3A_396 : i32
        %mul3A_398 = arith.constant 120 : i32
        %mul3A_399 = arith.muli %add3A_397, %mul3A_398 : i32
        %add3A_400 = arith.addi %add3A, %mul3A_399 : i32
        %dma_start3A_401 = tpu.memref_slice %arg3[%add3A_400] : memref<645120xi32, #tpu.memory_space<hbm>> -> memref<120xi32, #tpu.memory_space<hbm>>
        %dma_start3A_402 = tpu.memref_slice %arg3[%add3A_400] : memref<645120xi32, #tpu.memory_space<hbm>> -> memref<120xi32, #tpu.memory_space<hbm>>
        tpu.enqueue_dma source(%dma_start3A_402 : memref<120xi32, #tpu.memory_space<hbm>>) target(%arg10 : memref<120xi32, #tpu.memory_space<vmem>>) target_semaphore(%arg22 : memref<!tpu.dma_semaphore, #tpu.memory_space<semaphore_mem>>)
        %dma_start3A_403 = tpu.memref_slice %arg4[%add3A_400] : memref<645120xi32, #tpu.memory_space<hbm>> -> memref<120xi32, #tpu.memory_space<hbm>>
        %dma_start3A_404 = tpu.memref_slice %arg4[%add3A_400] : memref<645120xi32, #tpu.memory_space<hbm>> -> memref<120xi32, #tpu.memory_space<hbm>>
        tpu.enqueue_dma source(%dma_start3A_404 : memref<120xi32, #tpu.memory_space<hbm>>) target(%arg14 : memref<120xi32, #tpu.memory_space<vmem>>) target_semaphore(%arg22 : memref<!tpu.dma_semaphore, #tpu.memory_space<semaphore_mem>>)
      } else {
      }
      %mul3A_193 = arith.constant 12 : i32
      %mul3A_194 = arith.muli %add3A_51, %mul3A_193 : i32
      %add3A_195 = arith.constant 5 : i32
      %add3A_196 = arith.addi %mul3A_194, %add3A_195 : i32
      %dma_wait3A_197 = arith.constant 0 : i32
      %dma_wait3A_198 = arith.constant 0 : i32
      %dma_wait3A_199 = tpu.memref_slice %arg2[%dma_wait3A_197, %dma_wait3A_198] : memref<20000x128xf32, #tpu.memory_space<hbm>> -> memref<20000x128xf32, #tpu.memory_space<hbm>>
      tpu.wait_indirect_dma semaphore(%arg25 : memref<!tpu.dma_semaphore, #tpu.memory_space<semaphore_mem>>) src(%dma_wait3A_199 : memref<20000x128xf32, #tpu.memory_space<hbm>>) dst(%arg17 : memref<120x128xf32, #tpu.memory_space<vmem>>)
      %dma_start3A_200 = arith.constant 0 : i32
      %dma_start3A_201 = arith.constant 0 : i32
      %dma_start3A_202 = tpu.memref_slice %arg18[%dma_start3A_200, %dma_start3A_201] : memref<10112x128xf32, #tpu.memory_space<vmem_shared>> -> memref<10112x128xf32, #tpu.memory_space<vmem_shared>>
      tpu.enqueue_indirect_dma source(%arg17 : memref<120x128xf32, #tpu.memory_space<vmem>>) target(%dma_start3A_202 : memref<10112x128xf32, #tpu.memory_space<vmem_shared>>) offsets(%arg12 : memref<120xi32, #tpu.memory_space<vmem>>) semaphore(%arg28 : memref<!tpu.dma_semaphore, #tpu.memory_space<semaphore_mem>>) {add = true}
      %ge3A_203 = arith.constant 1 : i32
      %ge3A_204 = arith.cmpi sge, %add3A_196, %ge3A_203 : i32
      %convert_element_type3A_205 = arith.extui %ge3A_204 : i1 to i32
      %cond3A_206 = arith.constant 0 : i32
      %cond3A_207 = arith.cmpi ne, %convert_element_type3A_205, %cond3A_206 : i32
      scf.if %cond3A_207 {
        %dma_wait3A_396 = arith.constant 0 : i32
        %dma_wait3A_397 = arith.constant 0 : i32
        %dma_wait3A_398 = tpu.memref_slice %arg18[%dma_wait3A_396, %dma_wait3A_397] : memref<10112x128xf32, #tpu.memory_space<vmem_shared>> -> memref<10112x128xf32, #tpu.memory_space<vmem_shared>>
        tpu.wait_indirect_dma semaphore(%arg27 : memref<!tpu.dma_semaphore, #tpu.memory_space<semaphore_mem>>) src(%arg16 : memref<120x128xf32, #tpu.memory_space<vmem>>) dst(%dma_wait3A_398 : memref<10112x128xf32, #tpu.memory_space<vmem_shared>>)
      } else {
      }
      %add3A_208 = arith.constant 2 : i32
      %add3A_209 = arith.addi %add3A_196, %add3A_208 : i32
      %lt3A_210 = arith.constant 168 : i32
      %lt3A_211 = arith.cmpi slt, %add3A_209, %lt3A_210 : i32
      %convert_element_type3A_212 = arith.extui %lt3A_211 : i1 to i32
      %cond3A_213 = arith.constant 0 : i32
      %cond3A_214 = arith.cmpi ne, %convert_element_type3A_212, %cond3A_213 : i32
      scf.if %cond3A_214 {
        %add3A_396 = arith.constant 2 : i32
        %add3A_397 = arith.addi %add3A_196, %add3A_396 : i32
        %mul3A_398 = arith.constant 120 : i32
        %mul3A_399 = arith.muli %add3A_397, %mul3A_398 : i32
        %add3A_400 = arith.addi %add3A, %mul3A_399 : i32
        %dma_wait3A_401 = tpu.memref_slice %arg3[%add3A_400] : memref<645120xi32, #tpu.memory_space<hbm>> -> memref<120xi32, #tpu.memory_space<hbm>>
        %dma_wait3A_402 = tpu.memref_slice %arg3[%add3A_400] : memref<645120xi32, #tpu.memory_space<hbm>> -> memref<120xi32, #tpu.memory_space<hbm>>
        tpu.wait_dma2 semaphore(%arg22 : memref<!tpu.dma_semaphore, #tpu.memory_space<semaphore_mem>>) src(%dma_wait3A_402 : memref<120xi32, #tpu.memory_space<hbm>>) dst(%arg10 : memref<120xi32, #tpu.memory_space<vmem>>)
        %dma_wait3A_403 = tpu.memref_slice %arg4[%add3A_400] : memref<645120xi32, #tpu.memory_space<hbm>> -> memref<120xi32, #tpu.memory_space<hbm>>
        %dma_wait3A_404 = tpu.memref_slice %arg4[%add3A_400] : memref<645120xi32, #tpu.memory_space<hbm>> -> memref<120xi32, #tpu.memory_space<hbm>>
        tpu.wait_dma2 semaphore(%arg22 : memref<!tpu.dma_semaphore, #tpu.memory_space<semaphore_mem>>) src(%dma_wait3A_404 : memref<120xi32, #tpu.memory_space<hbm>>) dst(%arg14 : memref<120xi32, #tpu.memory_space<vmem>>)
        %dma_start3A_405 = arith.constant 0 : i32
        %dma_start3A_406 = arith.constant 0 : i32
        %dma_start3A_407 = tpu.memref_slice %arg2[%dma_start3A_405, %dma_start3A_406] : memref<20000x128xf32, #tpu.memory_space<hbm>> -> memref<20000x128xf32, #tpu.memory_space<hbm>>
        tpu.enqueue_indirect_dma source(%dma_start3A_407 : memref<20000x128xf32, #tpu.memory_space<hbm>>) target(%arg16 : memref<120x128xf32, #tpu.memory_space<vmem>>) offsets(%arg10 : memref<120xi32, #tpu.memory_space<vmem>>) semaphore(%arg24 : memref<!tpu.dma_semaphore, #tpu.memory_space<semaphore_mem>>)
      } else {
      }
      %add3A_215 = arith.constant 3 : i32
      %add3A_216 = arith.addi %add3A_196, %add3A_215 : i32
      %lt3A_217 = arith.constant 168 : i32
      %lt3A_218 = arith.cmpi slt, %add3A_216, %lt3A_217 : i32
      %convert_element_type3A_219 = arith.extui %lt3A_218 : i1 to i32
      %cond3A_220 = arith.constant 0 : i32
      %cond3A_221 = arith.cmpi ne, %convert_element_type3A_219, %cond3A_220 : i32
      scf.if %cond3A_221 {
        %add3A_396 = arith.constant 3 : i32
        %add3A_397 = arith.addi %add3A_196, %add3A_396 : i32
        %mul3A_398 = arith.constant 120 : i32
        %mul3A_399 = arith.muli %add3A_397, %mul3A_398 : i32
        %add3A_400 = arith.addi %add3A, %mul3A_399 : i32
        %dma_start3A_401 = tpu.memref_slice %arg3[%add3A_400] : memref<645120xi32, #tpu.memory_space<hbm>> -> memref<120xi32, #tpu.memory_space<hbm>>
        %dma_start3A_402 = tpu.memref_slice %arg3[%add3A_400] : memref<645120xi32, #tpu.memory_space<hbm>> -> memref<120xi32, #tpu.memory_space<hbm>>
        tpu.enqueue_dma source(%dma_start3A_402 : memref<120xi32, #tpu.memory_space<hbm>>) target(%arg7 : memref<120xi32, #tpu.memory_space<vmem>>) target_semaphore(%arg19 : memref<!tpu.dma_semaphore, #tpu.memory_space<semaphore_mem>>)
        %dma_start3A_403 = tpu.memref_slice %arg4[%add3A_400] : memref<645120xi32, #tpu.memory_space<hbm>> -> memref<120xi32, #tpu.memory_space<hbm>>
        %dma_start3A_404 = tpu.memref_slice %arg4[%add3A_400] : memref<645120xi32, #tpu.memory_space<hbm>> -> memref<120xi32, #tpu.memory_space<hbm>>
        tpu.enqueue_dma source(%dma_start3A_404 : memref<120xi32, #tpu.memory_space<hbm>>) target(%arg11 : memref<120xi32, #tpu.memory_space<vmem>>) target_semaphore(%arg19 : memref<!tpu.dma_semaphore, #tpu.memory_space<semaphore_mem>>)
      } else {
      }
      %mul3A_222 = arith.constant 12 : i32
      %mul3A_223 = arith.muli %add3A_51, %mul3A_222 : i32
      %add3A_224 = arith.constant 6 : i32
      %add3A_225 = arith.addi %mul3A_223, %add3A_224 : i32
      %dma_wait3A_226 = arith.constant 0 : i32
      %dma_wait3A_227 = arith.constant 0 : i32
      %dma_wait3A_228 = tpu.memref_slice %arg2[%dma_wait3A_226, %dma_wait3A_227] : memref<20000x128xf32, #tpu.memory_space<hbm>> -> memref<20000x128xf32, #tpu.memory_space<hbm>>
      tpu.wait_indirect_dma semaphore(%arg23 : memref<!tpu.dma_semaphore, #tpu.memory_space<semaphore_mem>>) src(%dma_wait3A_228 : memref<20000x128xf32, #tpu.memory_space<hbm>>) dst(%arg15 : memref<120x128xf32, #tpu.memory_space<vmem>>)
      %dma_start3A_229 = arith.constant 0 : i32
      %dma_start3A_230 = arith.constant 0 : i32
      %dma_start3A_231 = tpu.memref_slice %arg18[%dma_start3A_229, %dma_start3A_230] : memref<10112x128xf32, #tpu.memory_space<vmem_shared>> -> memref<10112x128xf32, #tpu.memory_space<vmem_shared>>
      tpu.enqueue_indirect_dma source(%arg15 : memref<120x128xf32, #tpu.memory_space<vmem>>) target(%dma_start3A_231 : memref<10112x128xf32, #tpu.memory_space<vmem_shared>>) offsets(%arg13 : memref<120xi32, #tpu.memory_space<vmem>>) semaphore(%arg26 : memref<!tpu.dma_semaphore, #tpu.memory_space<semaphore_mem>>) {add = true}
      %ge3A_232 = arith.constant 1 : i32
      %ge3A_233 = arith.cmpi sge, %add3A_225, %ge3A_232 : i32
      %convert_element_type3A_234 = arith.extui %ge3A_233 : i1 to i32
      %cond3A_235 = arith.constant 0 : i32
      %cond3A_236 = arith.cmpi ne, %convert_element_type3A_234, %cond3A_235 : i32
      scf.if %cond3A_236 {
        %dma_wait3A_396 = arith.constant 0 : i32
        %dma_wait3A_397 = arith.constant 0 : i32
        %dma_wait3A_398 = tpu.memref_slice %arg18[%dma_wait3A_396, %dma_wait3A_397] : memref<10112x128xf32, #tpu.memory_space<vmem_shared>> -> memref<10112x128xf32, #tpu.memory_space<vmem_shared>>
        tpu.wait_indirect_dma semaphore(%arg28 : memref<!tpu.dma_semaphore, #tpu.memory_space<semaphore_mem>>) src(%arg17 : memref<120x128xf32, #tpu.memory_space<vmem>>) dst(%dma_wait3A_398 : memref<10112x128xf32, #tpu.memory_space<vmem_shared>>)
      } else {
      }
      %add3A_237 = arith.constant 2 : i32
      %add3A_238 = arith.addi %add3A_225, %add3A_237 : i32
      %lt3A_239 = arith.constant 168 : i32
      %lt3A_240 = arith.cmpi slt, %add3A_238, %lt3A_239 : i32
      %convert_element_type3A_241 = arith.extui %lt3A_240 : i1 to i32
      %cond3A_242 = arith.constant 0 : i32
      %cond3A_243 = arith.cmpi ne, %convert_element_type3A_241, %cond3A_242 : i32
      scf.if %cond3A_243 {
        %add3A_396 = arith.constant 2 : i32
        %add3A_397 = arith.addi %add3A_225, %add3A_396 : i32
        %mul3A_398 = arith.constant 120 : i32
        %mul3A_399 = arith.muli %add3A_397, %mul3A_398 : i32
        %add3A_400 = arith.addi %add3A, %mul3A_399 : i32
        %dma_wait3A_401 = tpu.memref_slice %arg3[%add3A_400] : memref<645120xi32, #tpu.memory_space<hbm>> -> memref<120xi32, #tpu.memory_space<hbm>>
        %dma_wait3A_402 = tpu.memref_slice %arg3[%add3A_400] : memref<645120xi32, #tpu.memory_space<hbm>> -> memref<120xi32, #tpu.memory_space<hbm>>
        tpu.wait_dma2 semaphore(%arg19 : memref<!tpu.dma_semaphore, #tpu.memory_space<semaphore_mem>>) src(%dma_wait3A_402 : memref<120xi32, #tpu.memory_space<hbm>>) dst(%arg7 : memref<120xi32, #tpu.memory_space<vmem>>)
        %dma_wait3A_403 = tpu.memref_slice %arg4[%add3A_400] : memref<645120xi32, #tpu.memory_space<hbm>> -> memref<120xi32, #tpu.memory_space<hbm>>
        %dma_wait3A_404 = tpu.memref_slice %arg4[%add3A_400] : memref<645120xi32, #tpu.memory_space<hbm>> -> memref<120xi32, #tpu.memory_space<hbm>>
        tpu.wait_dma2 semaphore(%arg19 : memref<!tpu.dma_semaphore, #tpu.memory_space<semaphore_mem>>) src(%dma_wait3A_404 : memref<120xi32, #tpu.memory_space<hbm>>) dst(%arg11 : memref<120xi32, #tpu.memory_space<vmem>>)
        %dma_start3A_405 = arith.constant 0 : i32
        %dma_start3A_406 = arith.constant 0 : i32
        %dma_start3A_407 = tpu.memref_slice %arg2[%dma_start3A_405, %dma_start3A_406] : memref<20000x128xf32, #tpu.memory_space<hbm>> -> memref<20000x128xf32, #tpu.memory_space<hbm>>
        tpu.enqueue_indirect_dma source(%dma_start3A_407 : memref<20000x128xf32, #tpu.memory_space<hbm>>) target(%arg17 : memref<120x128xf32, #tpu.memory_space<vmem>>) offsets(%arg7 : memref<120xi32, #tpu.memory_space<vmem>>) semaphore(%arg25 : memref<!tpu.dma_semaphore, #tpu.memory_space<semaphore_mem>>)
      } else {
      }
      %add3A_244 = arith.constant 3 : i32
      %add3A_245 = arith.addi %add3A_225, %add3A_244 : i32
      %lt3A_246 = arith.constant 168 : i32
      %lt3A_247 = arith.cmpi slt, %add3A_245, %lt3A_246 : i32
      %convert_element_type3A_248 = arith.extui %lt3A_247 : i1 to i32
      %cond3A_249 = arith.constant 0 : i32
      %cond3A_250 = arith.cmpi ne, %convert_element_type3A_248, %cond3A_249 : i32
      scf.if %cond3A_250 {
        %add3A_396 = arith.constant 3 : i32
        %add3A_397 = arith.addi %add3A_225, %add3A_396 : i32
        %mul3A_398 = arith.constant 120 : i32
        %mul3A_399 = arith.muli %add3A_397, %mul3A_398 : i32
        %add3A_400 = arith.addi %add3A, %mul3A_399 : i32
        %dma_start3A_401 = tpu.memref_slice %arg3[%add3A_400] : memref<645120xi32, #tpu.memory_space<hbm>> -> memref<120xi32, #tpu.memory_space<hbm>>
        %dma_start3A_402 = tpu.memref_slice %arg3[%add3A_400] : memref<645120xi32, #tpu.memory_space<hbm>> -> memref<120xi32, #tpu.memory_space<hbm>>
        tpu.enqueue_dma source(%dma_start3A_402 : memref<120xi32, #tpu.memory_space<hbm>>) target(%arg8 : memref<120xi32, #tpu.memory_space<vmem>>) target_semaphore(%arg20 : memref<!tpu.dma_semaphore, #tpu.memory_space<semaphore_mem>>)
        %dma_start3A_403 = tpu.memref_slice %arg4[%add3A_400] : memref<645120xi32, #tpu.memory_space<hbm>> -> memref<120xi32, #tpu.memory_space<hbm>>
        %dma_start3A_404 = tpu.memref_slice %arg4[%add3A_400] : memref<645120xi32, #tpu.memory_space<hbm>> -> memref<120xi32, #tpu.memory_space<hbm>>
        tpu.enqueue_dma source(%dma_start3A_404 : memref<120xi32, #tpu.memory_space<hbm>>) target(%arg12 : memref<120xi32, #tpu.memory_space<vmem>>) target_semaphore(%arg20 : memref<!tpu.dma_semaphore, #tpu.memory_space<semaphore_mem>>)
      } else {
      }
      %mul3A_251 = arith.constant 12 : i32
      %mul3A_252 = arith.muli %add3A_51, %mul3A_251 : i32
      %add3A_253 = arith.constant 7 : i32
      %add3A_254 = arith.addi %mul3A_252, %add3A_253 : i32
      %dma_wait3A_255 = arith.constant 0 : i32
      %dma_wait3A_256 = arith.constant 0 : i32
      %dma_wait3A_257 = tpu.memref_slice %arg2[%dma_wait3A_255, %dma_wait3A_256] : memref<20000x128xf32, #tpu.memory_space<hbm>> -> memref<20000x128xf32, #tpu.memory_space<hbm>>
      tpu.wait_indirect_dma semaphore(%arg24 : memref<!tpu.dma_semaphore, #tpu.memory_space<semaphore_mem>>) src(%dma_wait3A_257 : memref<20000x128xf32, #tpu.memory_space<hbm>>) dst(%arg16 : memref<120x128xf32, #tpu.memory_space<vmem>>)
      %dma_start3A_258 = arith.constant 0 : i32
      %dma_start3A_259 = arith.constant 0 : i32
      %dma_start3A_260 = tpu.memref_slice %arg18[%dma_start3A_258, %dma_start3A_259] : memref<10112x128xf32, #tpu.memory_space<vmem_shared>> -> memref<10112x128xf32, #tpu.memory_space<vmem_shared>>
      tpu.enqueue_indirect_dma source(%arg16 : memref<120x128xf32, #tpu.memory_space<vmem>>) target(%dma_start3A_260 : memref<10112x128xf32, #tpu.memory_space<vmem_shared>>) offsets(%arg14 : memref<120xi32, #tpu.memory_space<vmem>>) semaphore(%arg27 : memref<!tpu.dma_semaphore, #tpu.memory_space<semaphore_mem>>) {add = true}
      %ge3A_261 = arith.constant 1 : i32
      %ge3A_262 = arith.cmpi sge, %add3A_254, %ge3A_261 : i32
      %convert_element_type3A_263 = arith.extui %ge3A_262 : i1 to i32
      %cond3A_264 = arith.constant 0 : i32
      %cond3A_265 = arith.cmpi ne, %convert_element_type3A_263, %cond3A_264 : i32
      scf.if %cond3A_265 {
        %dma_wait3A_396 = arith.constant 0 : i32
        %dma_wait3A_397 = arith.constant 0 : i32
        %dma_wait3A_398 = tpu.memref_slice %arg18[%dma_wait3A_396, %dma_wait3A_397] : memref<10112x128xf32, #tpu.memory_space<vmem_shared>> -> memref<10112x128xf32, #tpu.memory_space<vmem_shared>>
        tpu.wait_indirect_dma semaphore(%arg26 : memref<!tpu.dma_semaphore, #tpu.memory_space<semaphore_mem>>) src(%arg15 : memref<120x128xf32, #tpu.memory_space<vmem>>) dst(%dma_wait3A_398 : memref<10112x128xf32, #tpu.memory_space<vmem_shared>>)
      } else {
      }
      %add3A_266 = arith.constant 2 : i32
      %add3A_267 = arith.addi %add3A_254, %add3A_266 : i32
      %lt3A_268 = arith.constant 168 : i32
      %lt3A_269 = arith.cmpi slt, %add3A_267, %lt3A_268 : i32
      %convert_element_type3A_270 = arith.extui %lt3A_269 : i1 to i32
      %cond3A_271 = arith.constant 0 : i32
      %cond3A_272 = arith.cmpi ne, %convert_element_type3A_270, %cond3A_271 : i32
      scf.if %cond3A_272 {
        %add3A_396 = arith.constant 2 : i32
        %add3A_397 = arith.addi %add3A_254, %add3A_396 : i32
        %mul3A_398 = arith.constant 120 : i32
        %mul3A_399 = arith.muli %add3A_397, %mul3A_398 : i32
        %add3A_400 = arith.addi %add3A, %mul3A_399 : i32
        %dma_wait3A_401 = tpu.memref_slice %arg3[%add3A_400] : memref<645120xi32, #tpu.memory_space<hbm>> -> memref<120xi32, #tpu.memory_space<hbm>>
        %dma_wait3A_402 = tpu.memref_slice %arg3[%add3A_400] : memref<645120xi32, #tpu.memory_space<hbm>> -> memref<120xi32, #tpu.memory_space<hbm>>
        tpu.wait_dma2 semaphore(%arg20 : memref<!tpu.dma_semaphore, #tpu.memory_space<semaphore_mem>>) src(%dma_wait3A_402 : memref<120xi32, #tpu.memory_space<hbm>>) dst(%arg8 : memref<120xi32, #tpu.memory_space<vmem>>)
        %dma_wait3A_403 = tpu.memref_slice %arg4[%add3A_400] : memref<645120xi32, #tpu.memory_space<hbm>> -> memref<120xi32, #tpu.memory_space<hbm>>
        %dma_wait3A_404 = tpu.memref_slice %arg4[%add3A_400] : memref<645120xi32, #tpu.memory_space<hbm>> -> memref<120xi32, #tpu.memory_space<hbm>>
        tpu.wait_dma2 semaphore(%arg20 : memref<!tpu.dma_semaphore, #tpu.memory_space<semaphore_mem>>) src(%dma_wait3A_404 : memref<120xi32, #tpu.memory_space<hbm>>) dst(%arg12 : memref<120xi32, #tpu.memory_space<vmem>>)
        %dma_start3A_405 = arith.constant 0 : i32
        %dma_start3A_406 = arith.constant 0 : i32
        %dma_start3A_407 = tpu.memref_slice %arg2[%dma_start3A_405, %dma_start3A_406] : memref<20000x128xf32, #tpu.memory_space<hbm>> -> memref<20000x128xf32, #tpu.memory_space<hbm>>
        tpu.enqueue_indirect_dma source(%dma_start3A_407 : memref<20000x128xf32, #tpu.memory_space<hbm>>) target(%arg15 : memref<120x128xf32, #tpu.memory_space<vmem>>) offsets(%arg8 : memref<120xi32, #tpu.memory_space<vmem>>) semaphore(%arg23 : memref<!tpu.dma_semaphore, #tpu.memory_space<semaphore_mem>>)
      } else {
      }
      %add3A_273 = arith.constant 3 : i32
      %add3A_274 = arith.addi %add3A_254, %add3A_273 : i32
      %lt3A_275 = arith.constant 168 : i32
      %lt3A_276 = arith.cmpi slt, %add3A_274, %lt3A_275 : i32
      %convert_element_type3A_277 = arith.extui %lt3A_276 : i1 to i32
      %cond3A_278 = arith.constant 0 : i32
      %cond3A_279 = arith.cmpi ne, %convert_element_type3A_277, %cond3A_278 : i32
      scf.if %cond3A_279 {
        %add3A_396 = arith.constant 3 : i32
        %add3A_397 = arith.addi %add3A_254, %add3A_396 : i32
        %mul3A_398 = arith.constant 120 : i32
        %mul3A_399 = arith.muli %add3A_397, %mul3A_398 : i32
        %add3A_400 = arith.addi %add3A, %mul3A_399 : i32
        %dma_start3A_401 = tpu.memref_slice %arg3[%add3A_400] : memref<645120xi32, #tpu.memory_space<hbm>> -> memref<120xi32, #tpu.memory_space<hbm>>
        %dma_start3A_402 = tpu.memref_slice %arg3[%add3A_400] : memref<645120xi32, #tpu.memory_space<hbm>> -> memref<120xi32, #tpu.memory_space<hbm>>
        tpu.enqueue_dma source(%dma_start3A_402 : memref<120xi32, #tpu.memory_space<hbm>>) target(%arg9 : memref<120xi32, #tpu.memory_space<vmem>>) target_semaphore(%arg21 : memref<!tpu.dma_semaphore, #tpu.memory_space<semaphore_mem>>)
        %dma_start3A_403 = tpu.memref_slice %arg4[%add3A_400] : memref<645120xi32, #tpu.memory_space<hbm>> -> memref<120xi32, #tpu.memory_space<hbm>>
        %dma_start3A_404 = tpu.memref_slice %arg4[%add3A_400] : memref<645120xi32, #tpu.memory_space<hbm>> -> memref<120xi32, #tpu.memory_space<hbm>>
        tpu.enqueue_dma source(%dma_start3A_404 : memref<120xi32, #tpu.memory_space<hbm>>) target(%arg13 : memref<120xi32, #tpu.memory_space<vmem>>) target_semaphore(%arg21 : memref<!tpu.dma_semaphore, #tpu.memory_space<semaphore_mem>>)
      } else {
      }
      %mul3A_280 = arith.constant 12 : i32
      %mul3A_281 = arith.muli %add3A_51, %mul3A_280 : i32
      %add3A_282 = arith.constant 8 : i32
      %add3A_283 = arith.addi %mul3A_281, %add3A_282 : i32
      %dma_wait3A_284 = arith.constant 0 : i32
      %dma_wait3A_285 = arith.constant 0 : i32
      %dma_wait3A_286 = tpu.memref_slice %arg2[%dma_wait3A_284, %dma_wait3A_285] : memref<20000x128xf32, #tpu.memory_space<hbm>> -> memref<20000x128xf32, #tpu.memory_space<hbm>>
      tpu.wait_indirect_dma semaphore(%arg25 : memref<!tpu.dma_semaphore, #tpu.memory_space<semaphore_mem>>) src(%dma_wait3A_286 : memref<20000x128xf32, #tpu.memory_space<hbm>>) dst(%arg17 : memref<120x128xf32, #tpu.memory_space<vmem>>)
      %dma_start3A_287 = arith.constant 0 : i32
      %dma_start3A_288 = arith.constant 0 : i32
      %dma_start3A_289 = tpu.memref_slice %arg18[%dma_start3A_287, %dma_start3A_288] : memref<10112x128xf32, #tpu.memory_space<vmem_shared>> -> memref<10112x128xf32, #tpu.memory_space<vmem_shared>>
      tpu.enqueue_indirect_dma source(%arg17 : memref<120x128xf32, #tpu.memory_space<vmem>>) target(%dma_start3A_289 : memref<10112x128xf32, #tpu.memory_space<vmem_shared>>) offsets(%arg11 : memref<120xi32, #tpu.memory_space<vmem>>) semaphore(%arg28 : memref<!tpu.dma_semaphore, #tpu.memory_space<semaphore_mem>>) {add = true}
      %ge3A_290 = arith.constant 1 : i32
      %ge3A_291 = arith.cmpi sge, %add3A_283, %ge3A_290 : i32
      %convert_element_type3A_292 = arith.extui %ge3A_291 : i1 to i32
      %cond3A_293 = arith.constant 0 : i32
      %cond3A_294 = arith.cmpi ne, %convert_element_type3A_292, %cond3A_293 : i32
      scf.if %cond3A_294 {
        %dma_wait3A_396 = arith.constant 0 : i32
        %dma_wait3A_397 = arith.constant 0 : i32
        %dma_wait3A_398 = tpu.memref_slice %arg18[%dma_wait3A_396, %dma_wait3A_397] : memref<10112x128xf32, #tpu.memory_space<vmem_shared>> -> memref<10112x128xf32, #tpu.memory_space<vmem_shared>>
        tpu.wait_indirect_dma semaphore(%arg27 : memref<!tpu.dma_semaphore, #tpu.memory_space<semaphore_mem>>) src(%arg16 : memref<120x128xf32, #tpu.memory_space<vmem>>) dst(%dma_wait3A_398 : memref<10112x128xf32, #tpu.memory_space<vmem_shared>>)
      } else {
      }
      %add3A_295 = arith.constant 2 : i32
      %add3A_296 = arith.addi %add3A_283, %add3A_295 : i32
      %lt3A_297 = arith.constant 168 : i32
      %lt3A_298 = arith.cmpi slt, %add3A_296, %lt3A_297 : i32
      %convert_element_type3A_299 = arith.extui %lt3A_298 : i1 to i32
      %cond3A_300 = arith.constant 0 : i32
      %cond3A_301 = arith.cmpi ne, %convert_element_type3A_299, %cond3A_300 : i32
      scf.if %cond3A_301 {
        %add3A_396 = arith.constant 2 : i32
        %add3A_397 = arith.addi %add3A_283, %add3A_396 : i32
        %mul3A_398 = arith.constant 120 : i32
        %mul3A_399 = arith.muli %add3A_397, %mul3A_398 : i32
        %add3A_400 = arith.addi %add3A, %mul3A_399 : i32
        %dma_wait3A_401 = tpu.memref_slice %arg3[%add3A_400] : memref<645120xi32, #tpu.memory_space<hbm>> -> memref<120xi32, #tpu.memory_space<hbm>>
        %dma_wait3A_402 = tpu.memref_slice %arg3[%add3A_400] : memref<645120xi32, #tpu.memory_space<hbm>> -> memref<120xi32, #tpu.memory_space<hbm>>
        tpu.wait_dma2 semaphore(%arg21 : memref<!tpu.dma_semaphore, #tpu.memory_space<semaphore_mem>>) src(%dma_wait3A_402 : memref<120xi32, #tpu.memory_space<hbm>>) dst(%arg9 : memref<120xi32, #tpu.memory_space<vmem>>)
        %dma_wait3A_403 = tpu.memref_slice %arg4[%add3A_400] : memref<645120xi32, #tpu.memory_space<hbm>> -> memref<120xi32, #tpu.memory_space<hbm>>
        %dma_wait3A_404 = tpu.memref_slice %arg4[%add3A_400] : memref<645120xi32, #tpu.memory_space<hbm>> -> memref<120xi32, #tpu.memory_space<hbm>>
        tpu.wait_dma2 semaphore(%arg21 : memref<!tpu.dma_semaphore, #tpu.memory_space<semaphore_mem>>) src(%dma_wait3A_404 : memref<120xi32, #tpu.memory_space<hbm>>) dst(%arg13 : memref<120xi32, #tpu.memory_space<vmem>>)
        %dma_start3A_405 = arith.constant 0 : i32
        %dma_start3A_406 = arith.constant 0 : i32
        %dma_start3A_407 = tpu.memref_slice %arg2[%dma_start3A_405, %dma_start3A_406] : memref<20000x128xf32, #tpu.memory_space<hbm>> -> memref<20000x128xf32, #tpu.memory_space<hbm>>
        tpu.enqueue_indirect_dma source(%dma_start3A_407 : memref<20000x128xf32, #tpu.memory_space<hbm>>) target(%arg16 : memref<120x128xf32, #tpu.memory_space<vmem>>) offsets(%arg9 : memref<120xi32, #tpu.memory_space<vmem>>) semaphore(%arg24 : memref<!tpu.dma_semaphore, #tpu.memory_space<semaphore_mem>>)
      } else {
      }
      %add3A_302 = arith.constant 3 : i32
      %add3A_303 = arith.addi %add3A_283, %add3A_302 : i32
      %lt3A_304 = arith.constant 168 : i32
      %lt3A_305 = arith.cmpi slt, %add3A_303, %lt3A_304 : i32
      %convert_element_type3A_306 = arith.extui %lt3A_305 : i1 to i32
      %cond3A_307 = arith.constant 0 : i32
      %cond3A_308 = arith.cmpi ne, %convert_element_type3A_306, %cond3A_307 : i32
      scf.if %cond3A_308 {
        %add3A_396 = arith.constant 3 : i32
        %add3A_397 = arith.addi %add3A_283, %add3A_396 : i32
        %mul3A_398 = arith.constant 120 : i32
        %mul3A_399 = arith.muli %add3A_397, %mul3A_398 : i32
        %add3A_400 = arith.addi %add3A, %mul3A_399 : i32
        %dma_start3A_401 = tpu.memref_slice %arg3[%add3A_400] : memref<645120xi32, #tpu.memory_space<hbm>> -> memref<120xi32, #tpu.memory_space<hbm>>
        %dma_start3A_402 = tpu.memref_slice %arg3[%add3A_400] : memref<645120xi32, #tpu.memory_space<hbm>> -> memref<120xi32, #tpu.memory_space<hbm>>
        tpu.enqueue_dma source(%dma_start3A_402 : memref<120xi32, #tpu.memory_space<hbm>>) target(%arg10 : memref<120xi32, #tpu.memory_space<vmem>>) target_semaphore(%arg22 : memref<!tpu.dma_semaphore, #tpu.memory_space<semaphore_mem>>)
        %dma_start3A_403 = tpu.memref_slice %arg4[%add3A_400] : memref<645120xi32, #tpu.memory_space<hbm>> -> memref<120xi32, #tpu.memory_space<hbm>>
        %dma_start3A_404 = tpu.memref_slice %arg4[%add3A_400] : memref<645120xi32, #tpu.memory_space<hbm>> -> memref<120xi32, #tpu.memory_space<hbm>>
        tpu.enqueue_dma source(%dma_start3A_404 : memref<120xi32, #tpu.memory_space<hbm>>) target(%arg14 : memref<120xi32, #tpu.memory_space<vmem>>) target_semaphore(%arg22 : memref<!tpu.dma_semaphore, #tpu.memory_space<semaphore_mem>>)
      } else {
      }
      %mul3A_309 = arith.constant 12 : i32
      %mul3A_310 = arith.muli %add3A_51, %mul3A_309 : i32
      %add3A_311 = arith.constant 9 : i32
      %add3A_312 = arith.addi %mul3A_310, %add3A_311 : i32
      %dma_wait3A_313 = arith.constant 0 : i32
      %dma_wait3A_314 = arith.constant 0 : i32
      %dma_wait3A_315 = tpu.memref_slice %arg2[%dma_wait3A_313, %dma_wait3A_314] : memref<20000x128xf32, #tpu.memory_space<hbm>> -> memref<20000x128xf32, #tpu.memory_space<hbm>>
      tpu.wait_indirect_dma semaphore(%arg23 : memref<!tpu.dma_semaphore, #tpu.memory_space<semaphore_mem>>) src(%dma_wait3A_315 : memref<20000x128xf32, #tpu.memory_space<hbm>>) dst(%arg15 : memref<120x128xf32, #tpu.memory_space<vmem>>)
      %dma_start3A_316 = arith.constant 0 : i32
      %dma_start3A_317 = arith.constant 0 : i32
      %dma_start3A_318 = tpu.memref_slice %arg18[%dma_start3A_316, %dma_start3A_317] : memref<10112x128xf32, #tpu.memory_space<vmem_shared>> -> memref<10112x128xf32, #tpu.memory_space<vmem_shared>>
      tpu.enqueue_indirect_dma source(%arg15 : memref<120x128xf32, #tpu.memory_space<vmem>>) target(%dma_start3A_318 : memref<10112x128xf32, #tpu.memory_space<vmem_shared>>) offsets(%arg12 : memref<120xi32, #tpu.memory_space<vmem>>) semaphore(%arg26 : memref<!tpu.dma_semaphore, #tpu.memory_space<semaphore_mem>>) {add = true}
      %ge3A_319 = arith.constant 1 : i32
      %ge3A_320 = arith.cmpi sge, %add3A_312, %ge3A_319 : i32
      %convert_element_type3A_321 = arith.extui %ge3A_320 : i1 to i32
      %cond3A_322 = arith.constant 0 : i32
      %cond3A_323 = arith.cmpi ne, %convert_element_type3A_321, %cond3A_322 : i32
      scf.if %cond3A_323 {
        %dma_wait3A_396 = arith.constant 0 : i32
        %dma_wait3A_397 = arith.constant 0 : i32
        %dma_wait3A_398 = tpu.memref_slice %arg18[%dma_wait3A_396, %dma_wait3A_397] : memref<10112x128xf32, #tpu.memory_space<vmem_shared>> -> memref<10112x128xf32, #tpu.memory_space<vmem_shared>>
        tpu.wait_indirect_dma semaphore(%arg28 : memref<!tpu.dma_semaphore, #tpu.memory_space<semaphore_mem>>) src(%arg17 : memref<120x128xf32, #tpu.memory_space<vmem>>) dst(%dma_wait3A_398 : memref<10112x128xf32, #tpu.memory_space<vmem_shared>>)
      } else {
      }
      %add3A_324 = arith.constant 2 : i32
      %add3A_325 = arith.addi %add3A_312, %add3A_324 : i32
      %lt3A_326 = arith.constant 168 : i32
      %lt3A_327 = arith.cmpi slt, %add3A_325, %lt3A_326 : i32
      %convert_element_type3A_328 = arith.extui %lt3A_327 : i1 to i32
      %cond3A_329 = arith.constant 0 : i32
      %cond3A_330 = arith.cmpi ne, %convert_element_type3A_328, %cond3A_329 : i32
      scf.if %cond3A_330 {
        %add3A_396 = arith.constant 2 : i32
        %add3A_397 = arith.addi %add3A_312, %add3A_396 : i32
        %mul3A_398 = arith.constant 120 : i32
        %mul3A_399 = arith.muli %add3A_397, %mul3A_398 : i32
        %add3A_400 = arith.addi %add3A, %mul3A_399 : i32
        %dma_wait3A_401 = tpu.memref_slice %arg3[%add3A_400] : memref<645120xi32, #tpu.memory_space<hbm>> -> memref<120xi32, #tpu.memory_space<hbm>>
        %dma_wait3A_402 = tpu.memref_slice %arg3[%add3A_400] : memref<645120xi32, #tpu.memory_space<hbm>> -> memref<120xi32, #tpu.memory_space<hbm>>
        tpu.wait_dma2 semaphore(%arg22 : memref<!tpu.dma_semaphore, #tpu.memory_space<semaphore_mem>>) src(%dma_wait3A_402 : memref<120xi32, #tpu.memory_space<hbm>>) dst(%arg10 : memref<120xi32, #tpu.memory_space<vmem>>)
        %dma_wait3A_403 = tpu.memref_slice %arg4[%add3A_400] : memref<645120xi32, #tpu.memory_space<hbm>> -> memref<120xi32, #tpu.memory_space<hbm>>
        %dma_wait3A_404 = tpu.memref_slice %arg4[%add3A_400] : memref<645120xi32, #tpu.memory_space<hbm>> -> memref<120xi32, #tpu.memory_space<hbm>>
        tpu.wait_dma2 semaphore(%arg22 : memref<!tpu.dma_semaphore, #tpu.memory_space<semaphore_mem>>) src(%dma_wait3A_404 : memref<120xi32, #tpu.memory_space<hbm>>) dst(%arg14 : memref<120xi32, #tpu.memory_space<vmem>>)
        %dma_start3A_405 = arith.constant 0 : i32
        %dma_start3A_406 = arith.constant 0 : i32
        %dma_start3A_407 = tpu.memref_slice %arg2[%dma_start3A_405, %dma_start3A_406] : memref<20000x128xf32, #tpu.memory_space<hbm>> -> memref<20000x128xf32, #tpu.memory_space<hbm>>
        tpu.enqueue_indirect_dma source(%dma_start3A_407 : memref<20000x128xf32, #tpu.memory_space<hbm>>) target(%arg17 : memref<120x128xf32, #tpu.memory_space<vmem>>) offsets(%arg10 : memref<120xi32, #tpu.memory_space<vmem>>) semaphore(%arg25 : memref<!tpu.dma_semaphore, #tpu.memory_space<semaphore_mem>>)
      } else {
      }
      %add3A_331 = arith.constant 3 : i32
      %add3A_332 = arith.addi %add3A_312, %add3A_331 : i32
      %lt3A_333 = arith.constant 168 : i32
      %lt3A_334 = arith.cmpi slt, %add3A_332, %lt3A_333 : i32
      %convert_element_type3A_335 = arith.extui %lt3A_334 : i1 to i32
      %cond3A_336 = arith.constant 0 : i32
      %cond3A_337 = arith.cmpi ne, %convert_element_type3A_335, %cond3A_336 : i32
      scf.if %cond3A_337 {
        %add3A_396 = arith.constant 3 : i32
        %add3A_397 = arith.addi %add3A_312, %add3A_396 : i32
        %mul3A_398 = arith.constant 120 : i32
        %mul3A_399 = arith.muli %add3A_397, %mul3A_398 : i32
        %add3A_400 = arith.addi %add3A, %mul3A_399 : i32
        %dma_start3A_401 = tpu.memref_slice %arg3[%add3A_400] : memref<645120xi32, #tpu.memory_space<hbm>> -> memref<120xi32, #tpu.memory_space<hbm>>
        %dma_start3A_402 = tpu.memref_slice %arg3[%add3A_400] : memref<645120xi32, #tpu.memory_space<hbm>> -> memref<120xi32, #tpu.memory_space<hbm>>
        tpu.enqueue_dma source(%dma_start3A_402 : memref<120xi32, #tpu.memory_space<hbm>>) target(%arg7 : memref<120xi32, #tpu.memory_space<vmem>>) target_semaphore(%arg19 : memref<!tpu.dma_semaphore, #tpu.memory_space<semaphore_mem>>)
        %dma_start3A_403 = tpu.memref_slice %arg4[%add3A_400] : memref<645120xi32, #tpu.memory_space<hbm>> -> memref<120xi32, #tpu.memory_space<hbm>>
        %dma_start3A_404 = tpu.memref_slice %arg4[%add3A_400] : memref<645120xi32, #tpu.memory_space<hbm>> -> memref<120xi32, #tpu.memory_space<hbm>>
        tpu.enqueue_dma source(%dma_start3A_404 : memref<120xi32, #tpu.memory_space<hbm>>) target(%arg11 : memref<120xi32, #tpu.memory_space<vmem>>) target_semaphore(%arg19 : memref<!tpu.dma_semaphore, #tpu.memory_space<semaphore_mem>>)
      } else {
      }
      %mul3A_338 = arith.constant 12 : i32
      %mul3A_339 = arith.muli %add3A_51, %mul3A_338 : i32
      %add3A_340 = arith.constant 10 : i32
      %add3A_341 = arith.addi %mul3A_339, %add3A_340 : i32
      %dma_wait3A_342 = arith.constant 0 : i32
      %dma_wait3A_343 = arith.constant 0 : i32
      %dma_wait3A_344 = tpu.memref_slice %arg2[%dma_wait3A_342, %dma_wait3A_343] : memref<20000x128xf32, #tpu.memory_space<hbm>> -> memref<20000x128xf32, #tpu.memory_space<hbm>>
      tpu.wait_indirect_dma semaphore(%arg24 : memref<!tpu.dma_semaphore, #tpu.memory_space<semaphore_mem>>) src(%dma_wait3A_344 : memref<20000x128xf32, #tpu.memory_space<hbm>>) dst(%arg16 : memref<120x128xf32, #tpu.memory_space<vmem>>)
      %dma_start3A_345 = arith.constant 0 : i32
      %dma_start3A_346 = arith.constant 0 : i32
      %dma_start3A_347 = tpu.memref_slice %arg18[%dma_start3A_345, %dma_start3A_346] : memref<10112x128xf32, #tpu.memory_space<vmem_shared>> -> memref<10112x128xf32, #tpu.memory_space<vmem_shared>>
      tpu.enqueue_indirect_dma source(%arg16 : memref<120x128xf32, #tpu.memory_space<vmem>>) target(%dma_start3A_347 : memref<10112x128xf32, #tpu.memory_space<vmem_shared>>) offsets(%arg13 : memref<120xi32, #tpu.memory_space<vmem>>) semaphore(%arg27 : memref<!tpu.dma_semaphore, #tpu.memory_space<semaphore_mem>>) {add = true}
      %ge3A_348 = arith.constant 1 : i32
      %ge3A_349 = arith.cmpi sge, %add3A_341, %ge3A_348 : i32
      %convert_element_type3A_350 = arith.extui %ge3A_349 : i1 to i32
      %cond3A_351 = arith.constant 0 : i32
      %cond3A_352 = arith.cmpi ne, %convert_element_type3A_350, %cond3A_351 : i32
      scf.if %cond3A_352 {
        %dma_wait3A_396 = arith.constant 0 : i32
        %dma_wait3A_397 = arith.constant 0 : i32
        %dma_wait3A_398 = tpu.memref_slice %arg18[%dma_wait3A_396, %dma_wait3A_397] : memref<10112x128xf32, #tpu.memory_space<vmem_shared>> -> memref<10112x128xf32, #tpu.memory_space<vmem_shared>>
        tpu.wait_indirect_dma semaphore(%arg26 : memref<!tpu.dma_semaphore, #tpu.memory_space<semaphore_mem>>) src(%arg15 : memref<120x128xf32, #tpu.memory_space<vmem>>) dst(%dma_wait3A_398 : memref<10112x128xf32, #tpu.memory_space<vmem_shared>>)
      } else {
      }
      %add3A_353 = arith.constant 2 : i32
      %add3A_354 = arith.addi %add3A_341, %add3A_353 : i32
      %lt3A_355 = arith.constant 168 : i32
      %lt3A_356 = arith.cmpi slt, %add3A_354, %lt3A_355 : i32
      %convert_element_type3A_357 = arith.extui %lt3A_356 : i1 to i32
      %cond3A_358 = arith.constant 0 : i32
      %cond3A_359 = arith.cmpi ne, %convert_element_type3A_357, %cond3A_358 : i32
      scf.if %cond3A_359 {
        %add3A_396 = arith.constant 2 : i32
        %add3A_397 = arith.addi %add3A_341, %add3A_396 : i32
        %mul3A_398 = arith.constant 120 : i32
        %mul3A_399 = arith.muli %add3A_397, %mul3A_398 : i32
        %add3A_400 = arith.addi %add3A, %mul3A_399 : i32
        %dma_wait3A_401 = tpu.memref_slice %arg3[%add3A_400] : memref<645120xi32, #tpu.memory_space<hbm>> -> memref<120xi32, #tpu.memory_space<hbm>>
        %dma_wait3A_402 = tpu.memref_slice %arg3[%add3A_400] : memref<645120xi32, #tpu.memory_space<hbm>> -> memref<120xi32, #tpu.memory_space<hbm>>
        tpu.wait_dma2 semaphore(%arg19 : memref<!tpu.dma_semaphore, #tpu.memory_space<semaphore_mem>>) src(%dma_wait3A_402 : memref<120xi32, #tpu.memory_space<hbm>>) dst(%arg7 : memref<120xi32, #tpu.memory_space<vmem>>)
        %dma_wait3A_403 = tpu.memref_slice %arg4[%add3A_400] : memref<645120xi32, #tpu.memory_space<hbm>> -> memref<120xi32, #tpu.memory_space<hbm>>
        %dma_wait3A_404 = tpu.memref_slice %arg4[%add3A_400] : memref<645120xi32, #tpu.memory_space<hbm>> -> memref<120xi32, #tpu.memory_space<hbm>>
        tpu.wait_dma2 semaphore(%arg19 : memref<!tpu.dma_semaphore, #tpu.memory_space<semaphore_mem>>) src(%dma_wait3A_404 : memref<120xi32, #tpu.memory_space<hbm>>) dst(%arg11 : memref<120xi32, #tpu.memory_space<vmem>>)
        %dma_start3A_405 = arith.constant 0 : i32
        %dma_start3A_406 = arith.constant 0 : i32
        %dma_start3A_407 = tpu.memref_slice %arg2[%dma_start3A_405, %dma_start3A_406] : memref<20000x128xf32, #tpu.memory_space<hbm>> -> memref<20000x128xf32, #tpu.memory_space<hbm>>
        tpu.enqueue_indirect_dma source(%dma_start3A_407 : memref<20000x128xf32, #tpu.memory_space<hbm>>) target(%arg15 : memref<120x128xf32, #tpu.memory_space<vmem>>) offsets(%arg7 : memref<120xi32, #tpu.memory_space<vmem>>) semaphore(%arg23 : memref<!tpu.dma_semaphore, #tpu.memory_space<semaphore_mem>>)
      } else {
      }
      %add3A_360 = arith.constant 3 : i32
      %add3A_361 = arith.addi %add3A_341, %add3A_360 : i32
      %lt3A_362 = arith.constant 168 : i32
      %lt3A_363 = arith.cmpi slt, %add3A_361, %lt3A_362 : i32
      %convert_element_type3A_364 = arith.extui %lt3A_363 : i1 to i32
      %cond3A_365 = arith.constant 0 : i32
      %cond3A_366 = arith.cmpi ne, %convert_element_type3A_364, %cond3A_365 : i32
      scf.if %cond3A_366 {
        %add3A_396 = arith.constant 3 : i32
        %add3A_397 = arith.addi %add3A_341, %add3A_396 : i32
        %mul3A_398 = arith.constant 120 : i32
        %mul3A_399 = arith.muli %add3A_397, %mul3A_398 : i32
        %add3A_400 = arith.addi %add3A, %mul3A_399 : i32
        %dma_start3A_401 = tpu.memref_slice %arg3[%add3A_400] : memref<645120xi32, #tpu.memory_space<hbm>> -> memref<120xi32, #tpu.memory_space<hbm>>
        %dma_start3A_402 = tpu.memref_slice %arg3[%add3A_400] : memref<645120xi32, #tpu.memory_space<hbm>> -> memref<120xi32, #tpu.memory_space<hbm>>
        tpu.enqueue_dma source(%dma_start3A_402 : memref<120xi32, #tpu.memory_space<hbm>>) target(%arg8 : memref<120xi32, #tpu.memory_space<vmem>>) target_semaphore(%arg20 : memref<!tpu.dma_semaphore, #tpu.memory_space<semaphore_mem>>)
        %dma_start3A_403 = tpu.memref_slice %arg4[%add3A_400] : memref<645120xi32, #tpu.memory_space<hbm>> -> memref<120xi32, #tpu.memory_space<hbm>>
        %dma_start3A_404 = tpu.memref_slice %arg4[%add3A_400] : memref<645120xi32, #tpu.memory_space<hbm>> -> memref<120xi32, #tpu.memory_space<hbm>>
        tpu.enqueue_dma source(%dma_start3A_404 : memref<120xi32, #tpu.memory_space<hbm>>) target(%arg12 : memref<120xi32, #tpu.memory_space<vmem>>) target_semaphore(%arg20 : memref<!tpu.dma_semaphore, #tpu.memory_space<semaphore_mem>>)
      } else {
      }
      %mul3A_367 = arith.constant 12 : i32
      %mul3A_368 = arith.muli %add3A_51, %mul3A_367 : i32
      %add3A_369 = arith.constant 11 : i32
      %add3A_370 = arith.addi %mul3A_368, %add3A_369 : i32
      %dma_wait3A_371 = arith.constant 0 : i32
      %dma_wait3A_372 = arith.constant 0 : i32
      %dma_wait3A_373 = tpu.memref_slice %arg2[%dma_wait3A_371, %dma_wait3A_372] : memref<20000x128xf32, #tpu.memory_space<hbm>> -> memref<20000x128xf32, #tpu.memory_space<hbm>>
      tpu.wait_indirect_dma semaphore(%arg25 : memref<!tpu.dma_semaphore, #tpu.memory_space<semaphore_mem>>) src(%dma_wait3A_373 : memref<20000x128xf32, #tpu.memory_space<hbm>>) dst(%arg17 : memref<120x128xf32, #tpu.memory_space<vmem>>)
      %dma_start3A_374 = arith.constant 0 : i32
      %dma_start3A_375 = arith.constant 0 : i32
      %dma_start3A_376 = tpu.memref_slice %arg18[%dma_start3A_374, %dma_start3A_375] : memref<10112x128xf32, #tpu.memory_space<vmem_shared>> -> memref<10112x128xf32, #tpu.memory_space<vmem_shared>>
      tpu.enqueue_indirect_dma source(%arg17 : memref<120x128xf32, #tpu.memory_space<vmem>>) target(%dma_start3A_376 : memref<10112x128xf32, #tpu.memory_space<vmem_shared>>) offsets(%arg14 : memref<120xi32, #tpu.memory_space<vmem>>) semaphore(%arg28 : memref<!tpu.dma_semaphore, #tpu.memory_space<semaphore_mem>>) {add = true}
      %ge3A_377 = arith.constant 1 : i32
      %ge3A_378 = arith.cmpi sge, %add3A_370, %ge3A_377 : i32
      %convert_element_type3A_379 = arith.extui %ge3A_378 : i1 to i32
      %cond3A_380 = arith.constant 0 : i32
      %cond3A_381 = arith.cmpi ne, %convert_element_type3A_379, %cond3A_380 : i32
      scf.if %cond3A_381 {
        %dma_wait3A_396 = arith.constant 0 : i32
        %dma_wait3A_397 = arith.constant 0 : i32
        %dma_wait3A_398 = tpu.memref_slice %arg18[%dma_wait3A_396, %dma_wait3A_397] : memref<10112x128xf32, #tpu.memory_space<vmem_shared>> -> memref<10112x128xf32, #tpu.memory_space<vmem_shared>>
        tpu.wait_indirect_dma semaphore(%arg27 : memref<!tpu.dma_semaphore, #tpu.memory_space<semaphore_mem>>) src(%arg16 : memref<120x128xf32, #tpu.memory_space<vmem>>) dst(%dma_wait3A_398 : memref<10112x128xf32, #tpu.memory_space<vmem_shared>>)
      } else {
      }
      %add3A_382 = arith.constant 2 : i32
      %add3A_383 = arith.addi %add3A_370, %add3A_382 : i32
      %lt3A_384 = arith.constant 168 : i32
      %lt3A_385 = arith.cmpi slt, %add3A_383, %lt3A_384 : i32
      %convert_element_type3A_386 = arith.extui %lt3A_385 : i1 to i32
      %cond3A_387 = arith.constant 0 : i32
      %cond3A_388 = arith.cmpi ne, %convert_element_type3A_386, %cond3A_387 : i32
      scf.if %cond3A_388 {
        %add3A_396 = arith.constant 2 : i32
        %add3A_397 = arith.addi %add3A_370, %add3A_396 : i32
        %mul3A_398 = arith.constant 120 : i32
        %mul3A_399 = arith.muli %add3A_397, %mul3A_398 : i32
        %add3A_400 = arith.addi %add3A, %mul3A_399 : i32
        %dma_wait3A_401 = tpu.memref_slice %arg3[%add3A_400] : memref<645120xi32, #tpu.memory_space<hbm>> -> memref<120xi32, #tpu.memory_space<hbm>>
        %dma_wait3A_402 = tpu.memref_slice %arg3[%add3A_400] : memref<645120xi32, #tpu.memory_space<hbm>> -> memref<120xi32, #tpu.memory_space<hbm>>
        tpu.wait_dma2 semaphore(%arg20 : memref<!tpu.dma_semaphore, #tpu.memory_space<semaphore_mem>>) src(%dma_wait3A_402 : memref<120xi32, #tpu.memory_space<hbm>>) dst(%arg8 : memref<120xi32, #tpu.memory_space<vmem>>)
        %dma_wait3A_403 = tpu.memref_slice %arg4[%add3A_400] : memref<645120xi32, #tpu.memory_space<hbm>> -> memref<120xi32, #tpu.memory_space<hbm>>
        %dma_wait3A_404 = tpu.memref_slice %arg4[%add3A_400] : memref<645120xi32, #tpu.memory_space<hbm>> -> memref<120xi32, #tpu.memory_space<hbm>>
        tpu.wait_dma2 semaphore(%arg20 : memref<!tpu.dma_semaphore, #tpu.memory_space<semaphore_mem>>) src(%dma_wait3A_404 : memref<120xi32, #tpu.memory_space<hbm>>) dst(%arg12 : memref<120xi32, #tpu.memory_space<vmem>>)
        %dma_start3A_405 = arith.constant 0 : i32
        %dma_start3A_406 = arith.constant 0 : i32
        %dma_start3A_407 = tpu.memref_slice %arg2[%dma_start3A_405, %dma_start3A_406] : memref<20000x128xf32, #tpu.memory_space<hbm>> -> memref<20000x128xf32, #tpu.memory_space<hbm>>
        tpu.enqueue_indirect_dma source(%dma_start3A_407 : memref<20000x128xf32, #tpu.memory_space<hbm>>) target(%arg16 : memref<120x128xf32, #tpu.memory_space<vmem>>) offsets(%arg8 : memref<120xi32, #tpu.memory_space<vmem>>) semaphore(%arg24 : memref<!tpu.dma_semaphore, #tpu.memory_space<semaphore_mem>>)
      } else {
      }
      %add3A_389 = arith.constant 3 : i32
      %add3A_390 = arith.addi %add3A_370, %add3A_389 : i32
      %lt3A_391 = arith.constant 168 : i32
      %lt3A_392 = arith.cmpi slt, %add3A_390, %lt3A_391 : i32
      %convert_element_type3A_393 = arith.extui %lt3A_392 : i1 to i32
      %cond3A_394 = arith.constant 0 : i32
      %cond3A_395 = arith.cmpi ne, %convert_element_type3A_393, %cond3A_394 : i32
      scf.if %cond3A_395 {
        %add3A_396 = arith.constant 3 : i32
        %add3A_397 = arith.addi %add3A_370, %add3A_396 : i32
        %mul3A_398 = arith.constant 120 : i32
        %mul3A_399 = arith.muli %add3A_397, %mul3A_398 : i32
        %add3A_400 = arith.addi %add3A, %mul3A_399 : i32
        %dma_start3A_401 = tpu.memref_slice %arg3[%add3A_400] : memref<645120xi32, #tpu.memory_space<hbm>> -> memref<120xi32, #tpu.memory_space<hbm>>
        %dma_start3A_402 = tpu.memref_slice %arg3[%add3A_400] : memref<645120xi32, #tpu.memory_space<hbm>> -> memref<120xi32, #tpu.memory_space<hbm>>
        tpu.enqueue_dma source(%dma_start3A_402 : memref<120xi32, #tpu.memory_space<hbm>>) target(%arg9 : memref<120xi32, #tpu.memory_space<vmem>>) target_semaphore(%arg21 : memref<!tpu.dma_semaphore, #tpu.memory_space<semaphore_mem>>)
        %dma_start3A_403 = tpu.memref_slice %arg4[%add3A_400] : memref<645120xi32, #tpu.memory_space<hbm>> -> memref<120xi32, #tpu.memory_space<hbm>>
        %dma_start3A_404 = tpu.memref_slice %arg4[%add3A_400] : memref<645120xi32, #tpu.memory_space<hbm>> -> memref<120xi32, #tpu.memory_space<hbm>>
        tpu.enqueue_dma source(%dma_start3A_404 : memref<120xi32, #tpu.memory_space<hbm>>) target(%arg13 : memref<120xi32, #tpu.memory_space<vmem>>) target_semaphore(%arg21 : memref<!tpu.dma_semaphore, #tpu.memory_space<semaphore_mem>>)
      } else {
      }
    }
    %scan3A_42 = arith.constant 14 : i32
    %dma_wait3A_43 = arith.constant 0 : i32
    %dma_wait3A_44 = arith.constant 0 : i32
    %dma_wait3A_45 = tpu.memref_slice %arg18[%dma_wait3A_43, %dma_wait3A_44] : memref<10112x128xf32, #tpu.memory_space<vmem_shared>> -> memref<10112x128xf32, #tpu.memory_space<vmem_shared>>
    tpu.wait_indirect_dma semaphore(%arg28 : memref<!tpu.dma_semaphore, #tpu.memory_space<semaphore_mem>>) src(%arg17 : memref<120x128xf32, #tpu.memory_space<vmem>>) dst(%dma_wait3A_45 : memref<10112x128xf32, #tpu.memory_space<vmem_shared>>)
    %barrier3A_46 = arith.constant 0 : index
    tpu.barrier barrier_id(%barrier3A_46)
    "tpu.region"() ({
      %run_scoped3A = tpu.sem_alloc : memref<!tpu.dma_semaphore, #tpu.memory_space<semaphore_mem>>
      %dma_start3A_47 = arith.constant 0 : i32
      %dma_start3A_48 = tpu.memref_slice %arg6[%arg0, %mul3A_0, %dma_start3A_47] : memref<2x10112x128xf32, #tpu.memory_space<hbm>> -> memref<1x632x128xf32, #tpu.memory_space<hbm>>
      %dma_start3A_49 = tpu.memref_squeeze %dma_start3A_48 : memref<1x632x128xf32, #tpu.memory_space<hbm>> -> memref<632x128xf32, #tpu.memory_space<hbm>>
      %dma_start3A_50 = arith.constant 0 : i32
      %dma_start3A_51 = tpu.memref_slice %arg18[%mul3A_0, %dma_start3A_50] : memref<10112x128xf32, #tpu.memory_space<vmem_shared>> -> memref<632x128xf32, #tpu.memory_space<vmem_shared>>
      tpu.enqueue_dma source(%dma_start3A_51 : memref<632x128xf32, #tpu.memory_space<vmem_shared>>) target(%dma_start3A_49 : memref<632x128xf32, #tpu.memory_space<hbm>>) target_semaphore(%run_scoped3A : memref<!tpu.dma_semaphore, #tpu.memory_space<semaphore_mem>>)
      %dma_wait3A_52 = arith.constant 0 : i32
      %dma_wait3A_53 = tpu.memref_slice %arg6[%arg0, %mul3A_0, %dma_wait3A_52] : memref<2x10112x128xf32, #tpu.memory_space<hbm>> -> memref<1x632x128xf32, #tpu.memory_space<hbm>>
      %dma_wait3A_54 = tpu.memref_squeeze %dma_wait3A_53 : memref<1x632x128xf32, #tpu.memory_space<hbm>> -> memref<632x128xf32, #tpu.memory_space<hbm>>
      %dma_wait3A_55 = arith.constant 0 : i32
      %dma_wait3A_56 = tpu.memref_slice %arg18[%mul3A_0, %dma_wait3A_55] : memref<10112x128xf32, #tpu.memory_space<vmem_shared>> -> memref<632x128xf32, #tpu.memory_space<vmem_shared>>
      tpu.wait_dma2 semaphore(%run_scoped3A : memref<!tpu.dma_semaphore, #tpu.memory_space<semaphore_mem>>) src(%dma_wait3A_56 : memref<632x128xf32, #tpu.memory_space<vmem_shared>>) dst(%dma_wait3A_54 : memref<632x128xf32, #tpu.memory_space<hbm>>)
      tpu.yield
    }) : () -> ()
    return
  }
}

module attributes {stable_mosaic.version = 14 : i64} {
  func.func @_affine_kernel(%arg0: i32, %arg1: memref<1x2000x128xf32, #tpu.memory_space<vmem>>, %arg2: memref<1x2000x128xf32, #tpu.memory_space<vmem>>, %arg3: memref<2000x128xf32, #tpu.memory_space<vmem>>, %arg4: memref<2000x128xf32, #tpu.memory_space<vmem>>, %arg5: memref<128x128xf32, #tpu.memory_space<vmem>>, %arg6: memref<128x128xf32, #tpu.memory_space<vmem>>, %arg7: memref<1x128xf32, #tpu.memory_space<vmem>>, %arg8: memref<128x128xf32, #tpu.memory_space<vmem>>, %arg9: memref<128x128xf32, #tpu.memory_space<vmem>>, %arg10: memref<1x128xf32, #tpu.memory_space<vmem>>, %arg11: memref<2000x128xf32, #tpu.memory_space<vmem>>, %arg12: memref<2000x128xf32, #tpu.memory_space<vmem>>) attributes {dimension_semantics = [#tpu.dimension_semantics<arbitrary>], iteration_bounds = array<i64: 5>, scalar_prefetch = 0 : i64, scratch_operands = 0 : i64, tpu.core_type = #tpu.core_type<tc>, window_params = [{transform_indices = @transform_0, window_bounds = array<i64: 1, 2000, 128>}, {transform_indices = @transform_1, window_bounds = array<i64: 1, 2000, 128>}, {transform_indices = @transform_2, window_bounds = array<i64: 2000, 128>}, {transform_indices = @transform_3, window_bounds = array<i64: 2000, 128>}, {pipeline_mode = #tpu.pipeline_mode<synchronous>, transform_indices = @transform_4, window_bounds = array<i64: 128, 128>}, {pipeline_mode = #tpu.pipeline_mode<synchronous>, transform_indices = @transform_5, window_bounds = array<i64: 128, 128>}, {pipeline_mode = #tpu.pipeline_mode<synchronous>, transform_indices = @transform_6, window_bounds = array<i64: 1, 128>}, {pipeline_mode = #tpu.pipeline_mode<synchronous>, transform_indices = @transform_7, window_bounds = array<i64: 128, 128>}, {pipeline_mode = #tpu.pipeline_mode<synchronous>, transform_indices = @transform_8, window_bounds = array<i64: 128, 128>}, {pipeline_mode = #tpu.pipeline_mode<synchronous>, transform_indices = @transform_9, window_bounds = array<i64: 1, 128>}, {transform_indices = @transform_10, window_bounds = array<i64: 2000, 128>}, {transform_indices = @transform_11, window_bounds = array<i64: 2000, 128>}]} {
    %get3A = arith.constant 0 : index
    %get3A_0 = arith.constant 0 : index
    %get3A_1 = arith.constant 0 : index
    %get3A_2 = vector.load %arg1[%get3A, %get3A_0, %get3A_1] : memref<1x2000x128xf32, #tpu.memory_space<vmem>>, vector<1x2000x128xf32>
    %get3A_3 = vector.shape_cast %get3A_2 : vector<1x2000x128xf32> to vector<2000x128xf32>
    %get3A_4 = arith.constant 0 : index
    %get3A_5 = arith.constant 0 : index
    %get3A_6 = vector.load %arg5[%get3A_4, %get3A_5] : memref<128x128xf32, #tpu.memory_space<vmem>>, vector<128x128xf32>
    %dot_general3A = arith.constant dense<0.000000e+00> : vector<2000x128xf32>
    %dot_general3A_7 = tpu.matmul %get3A_3, %get3A_6, %dot_general3A {dimension_numbers = #tpu.dot_dimension_numbers<[1], [0], [0], [1], [0, 0, 1, 1], [], []>, transpose_lhs_hint = false} : vector<2000x128xf32>, vector<128x128xf32>, vector<2000x128xf32> -> vector<2000x128xf32>
    %get3A_8 = arith.constant 0 : index
    %get3A_9 = arith.constant 0 : index
    %get3A_10 = vector.load %arg3[%get3A_8, %get3A_9] : memref<2000x128xf32, #tpu.memory_space<vmem>>, vector<2000x128xf32>
    %get3A_11 = arith.constant 0 : index
    %get3A_12 = arith.constant 0 : index
    %get3A_13 = vector.load %arg6[%get3A_11, %get3A_12] : memref<128x128xf32, #tpu.memory_space<vmem>>, vector<128x128xf32>
    %dot_general3A_14 = arith.constant dense<0.000000e+00> : vector<2000x128xf32>
    %dot_general3A_15 = tpu.matmul %get3A_10, %get3A_13, %dot_general3A_14 {dimension_numbers = #tpu.dot_dimension_numbers<[1], [0], [0], [1], [0, 0, 1, 1], [], []>, transpose_lhs_hint = false} : vector<2000x128xf32>, vector<128x128xf32>, vector<2000x128xf32> -> vector<2000x128xf32>
    %add3A = arith.addf %dot_general3A_7, %dot_general3A_15 : vector<2000x128xf32>
    %get3A_16 = arith.constant 0 : index
    %get3A_17 = arith.constant 0 : index
    %get3A_18 = vector.load %arg7[%get3A_16, %get3A_17] : memref<1x128xf32, #tpu.memory_space<vmem>>, vector<1x128xf32>
    %add3A_19 = vector.broadcast %get3A_18 : vector<1x128xf32> to vector<2000x128xf32>
    %add3A_20 = arith.addf %add3A, %add3A_19 : vector<2000x128xf32>
    %swap3A = arith.constant 0 : index
    %swap3A_21 = arith.constant 0 : index
    %swap3A_22 = vector.load %arg11[%swap3A, %swap3A_21] : memref<2000x128xf32, #tpu.memory_space<vmem>>, vector<2000x128xf32>
    tpu.vector_store %arg11[%swap3A, %swap3A_21], %add3A_20 {strides = array<i32>} : memref<2000x128xf32, #tpu.memory_space<vmem>>, vector<2000x128xf32>,
    %get3A_23 = arith.constant 0 : index
    %get3A_24 = arith.constant 0 : index
    %get3A_25 = arith.constant 0 : index
    %get3A_26 = vector.load %arg2[%get3A_23, %get3A_24, %get3A_25] : memref<1x2000x128xf32, #tpu.memory_space<vmem>>, vector<1x2000x128xf32>
    %get3A_27 = vector.shape_cast %get3A_26 : vector<1x2000x128xf32> to vector<2000x128xf32>
    %get3A_28 = arith.constant 0 : index
    %get3A_29 = arith.constant 0 : index
    %get3A_30 = vector.load %arg8[%get3A_28, %get3A_29] : memref<128x128xf32, #tpu.memory_space<vmem>>, vector<128x128xf32>
    %dot_general3A_31 = arith.constant dense<0.000000e+00> : vector<2000x128xf32>
    %dot_general3A_32 = tpu.matmul %get3A_27, %get3A_30, %dot_general3A_31 {dimension_numbers = #tpu.dot_dimension_numbers<[1], [0], [0], [1], [0, 0, 1, 1], [], []>, transpose_lhs_hint = false} : vector<2000x128xf32>, vector<128x128xf32>, vector<2000x128xf32> -> vector<2000x128xf32>
    %get3A_33 = arith.constant 0 : index
    %get3A_34 = arith.constant 0 : index
    %get3A_35 = vector.load %arg4[%get3A_33, %get3A_34] : memref<2000x128xf32, #tpu.memory_space<vmem>>, vector<2000x128xf32>
    %get3A_36 = arith.constant 0 : index
    %get3A_37 = arith.constant 0 : index
    %get3A_38 = vector.load %arg9[%get3A_36, %get3A_37] : memref<128x128xf32, #tpu.memory_space<vmem>>, vector<128x128xf32>
    %dot_general3A_39 = arith.constant dense<0.000000e+00> : vector<2000x128xf32>
    %dot_general3A_40 = tpu.matmul %get3A_35, %get3A_38, %dot_general3A_39 {dimension_numbers = #tpu.dot_dimension_numbers<[1], [0], [0], [1], [0, 0, 1, 1], [], []>, transpose_lhs_hint = false} : vector<2000x128xf32>, vector<128x128xf32>, vector<2000x128xf32> -> vector<2000x128xf32>
    %add3A_41 = arith.addf %dot_general3A_32, %dot_general3A_40 : vector<2000x128xf32>
    %get3A_42 = arith.constant 0 : index
    %get3A_43 = arith.constant 0 : index
    %get3A_44 = vector.load %arg10[%get3A_42, %get3A_43] : memref<1x128xf32, #tpu.memory_space<vmem>>, vector<1x128xf32>
    %add3A_45 = vector.broadcast %get3A_44 : vector<1x128xf32> to vector<2000x128xf32>
    %add3A_46 = arith.addf %add3A_41, %add3A_45 : vector<2000x128xf32>
    %swap3A_47 = arith.constant 0 : index
    %swap3A_48 = arith.constant 0 : index
    %swap3A_49 = vector.load %arg12[%swap3A_47, %swap3A_48] : memref<2000x128xf32, #tpu.memory_space<vmem>>, vector<2000x128xf32>
    tpu.vector_store %arg12[%swap3A_47, %swap3A_48], %add3A_46 {strides = array<i32>} : memref<2000x128xf32, #tpu.memory_space<vmem>>, vector<2000x128xf32>,
    return
  }
  func.func @transform_0(%arg0: i32) -> (i32, i32, i32) {
    %c0_i32 = arith.constant 0 : i32
    %c0_i32_0 = arith.constant 0 : i32
    %c0_i32_1 = arith.constant 0 : i32
    return %c0_i32, %arg0, %c0_i32_0 : i32, i32, i32
  }
  func.func @transform_1(%arg0: i32) -> (i32, i32, i32) {
    %c1_i32 = arith.constant 1 : i32
    %c0_i32 = arith.constant 0 : i32
    %c0_i32_0 = arith.constant 0 : i32
    return %c1_i32, %arg0, %c0_i32 : i32, i32, i32
  }
  func.func @transform_2(%arg0: i32) -> (i32, i32) {
    %c0_i32 = arith.constant 0 : i32
    %c0_i32_0 = arith.constant 0 : i32
    return %arg0, %c0_i32 : i32, i32
  }
  func.func @transform_3(%arg0: i32) -> (i32, i32) {
    %c0_i32 = arith.constant 0 : i32
    %c0_i32_0 = arith.constant 0 : i32
    return %arg0, %c0_i32 : i32, i32
  }
  func.func @transform_4(%arg0: i32) -> (i32, i32) {
    %c0_i32 = arith.constant 0 : i32
    %c0_i32_0 = arith.constant 0 : i32
    %c0_i32_1 = arith.constant 0 : i32
    return %c0_i32, %c0_i32_0 : i32, i32
  }
  func.func @transform_5(%arg0: i32) -> (i32, i32) {
    %c0_i32 = arith.constant 0 : i32
    %c0_i32_0 = arith.constant 0 : i32
    %c0_i32_1 = arith.constant 0 : i32
    return %c0_i32, %c0_i32_0 : i32, i32
  }
  func.func @transform_6(%arg0: i32) -> (i32, i32) {
    %c0_i32 = arith.constant 0 : i32
    %c0_i32_0 = arith.constant 0 : i32
    %c0_i32_1 = arith.constant 0 : i32
    return %c0_i32, %c0_i32_0 : i32, i32
  }
  func.func @transform_7(%arg0: i32) -> (i32, i32) {
    %c0_i32 = arith.constant 0 : i32
    %c0_i32_0 = arith.constant 0 : i32
    %c0_i32_1 = arith.constant 0 : i32
    return %c0_i32, %c0_i32_0 : i32, i32
  }
  func.func @transform_8(%arg0: i32) -> (i32, i32) {
    %c0_i32 = arith.constant 0 : i32
    %c0_i32_0 = arith.constant 0 : i32
    %c0_i32_1 = arith.constant 0 : i32
    return %c0_i32, %c0_i32_0 : i32, i32
  }
  func.func @transform_9(%arg0: i32) -> (i32, i32) {
    %c0_i32 = arith.constant 0 : i32
    %c0_i32_0 = arith.constant 0 : i32
    %c0_i32_1 = arith.constant 0 : i32
    return %c0_i32, %c0_i32_0 : i32, i32
  }
  func.func @transform_10(%arg0: i32) -> (i32, i32) {
    %c0_i32 = arith.constant 0 : i32
    %c0_i32_0 = arith.constant 0 : i32
    return %arg0, %c0_i32 : i32, i32
  }
  func.func @transform_11(%arg0: i32) -> (i32, i32) {
    %c0_i32 = arith.constant 0 : i32
    %c0_i32_0 = arith.constant 0 : i32
    return %arg0, %c0_i32 : i32, i32
  }
}

</mosaic_0001>

<sc_bundles>
// kernel: kernel.4.cloned.1.call-start
scs
__scs_entry_jumppad:
0x0: {  	(pc) =	sbr.rel $0x88, $3  }
0x1: {  	(tag) =	ssettag $0x0;
	lr =	simm.s32 $0x1  }
0x2: {  	[smem:$0x3F97] =	sst lr;
	_ =	strace $0xD0000000  }
0x3: {  	_ = 	snop  }
0x4: {  	_ = 	snop  }
0x5: {  	_ = 	snop  }
0x6: {  	_ = 	snop  }
0x7: {  	_ = 	snop  }
__scs_overlays_trampoline_lowered:
0x8: {  	[smem:$0x3FA6] =	sst s0  }
0x9: {  	[smem:$0x3FA7] =	sst s1  }
0xa: {  	[smem:$0x3FA8] =	sst s2  }
0xb: {  	[smem:$0x3FA9] =	sst s3  }
0xc: {  	[smem:$0x3FAA] =	sst s4  }
0xd: {  	[smem:$0x3FAB] =	sst s5  }
0xe: {  	[smem:$0x3FAC] =	sst s6  }
0xf: {  	[smem:$0x3FAD] =	sst s7  }
0x10: {  	[smem:$0x3FAE] =	sst s8  }
0x11: {  	[smem:$0x3FAF] =	sst s9;
	s0 =	simm.s32 @!p0 $0x0  }
0x12: {  	s1 =	sld [smem:$0x3F95];
	s0 =	simm.s32 @p0 $0x1  }
0x13: {  	[smem:$0x3FB0] =	sst s0;
	s0 =	simm.s32 @!p1 $0x0  }
0x14: {  	s2 =	sld [smem:$0x3F94];
	s0 =	simm.s32 @p1 $0x1  }
0x15: {  	[smem:$0x3FB1] =	sst s0;
	s0 =	simm.s32 @!p2 $0x0  }
0x16: {  	s3 =	sld [smem:$0x3FDB];
	s0 =	simm.s32 @p2 $0x1  }
0x17: {  	s4 =	simm.s32 $0x1BF5;
	[smem:$0x3FB3] =	sst s0  }
0x18: {  	s0 =	sld [smem:$0x3F96];
	_ =	swait.ge [sflag:s4], $0x0  }
0x19: {  	s7 =	sld [smem:$0x3F97]  }
0x1a: {  	s8 =	sadd.s32 $0xFFFFE003, lr  }
0x1b: {  	s9 =	sadd.s32 $0xFFFFFEF7, lr;
	s5 =	simm.s32 $0xFFFFFFFF;
	p2 =	slt.u32 s8, $0xFFFFF086  }
0x1c: {  	p1 =	slt.u32 s9, $0xF7A;
	s5 =	simm.s32 @!p2 $0x0  }
0x1d: {  	s5 =	simm.s32 @p1 $0x1;
	p0 =	seq.s32 s7, s2  }
0x1e: {  	s7 =	smul.u32 @!p0 $0xF7A, s2;
	p2 =	seq.s32 @!p0 s5, $0x0  }
0x1f: {  	s9 =	smul.u32 $0xF7A, s1;
	s8 =	simm.s32 @!p0 $0x1BF5;
	p2 =	por !p2, p0  }
0x20: {  	[sflag:s8] =	ssyncset.s32 @!p0 $0xFFFFF086;
	s6 =	sadd.s32 @!p0 s3, s7;
	s7 =	simm.s32 @!p0 $0x108  }
0x21: {  	s3 =	sadd.s32 s3, s9;
	s6 =	sadd.s32 @!p0 $0x88, s6;
	s7 =	simm.s32 @p2 $0x1082  }
0x22: {  	[simem:s7], [sflag:s8] =	dma.local @!p0 [hbm:s6], $0xF7A  }
0x23: {  	s9 =	sor.u32 $0xD0000000, s2;
	s6 =	simm.s32 $0x108;
	_ =	swait.ge @!p0 [sflag:s8], $0x0  }
0x24: {  	s3 =	sadd.s32 $0x88, s3;
	s6 =	simm.s32 @!p1 $0x1082;
	[sflag:s4] =	ssyncset.s32 $0xFFFFF086  }
0x25: {  	[simem:s6], [sflag:s4] =	dma.local [hbm:s3], $0xF7A  }
0x26: {  	[smem:$0x3F97] =	sst s1;
	(tag) =	ssettag s2;
	_ =	strace s9  }
0x27: {  	s1 =	sld [smem:$0x3FA7]  }
0x28: {  	s2 =	sld [smem:$0x3FA8]  }
0x29: {  	s4 =	sld [smem:$0x3FAA]  }
0x2a: {  	p0 =	seq.s32 s5, $0x0;
	s5 =	sld [smem:$0x3FAB]  }
0x2b: {  	s6 =	sld [smem:$0x3FAC]  }
0x2c: {  	s7 =	sld [smem:$0x3FAD]  }
0x2d: {  	s3 =	simm.s32 $0x108;
	s8 =	sld [smem:$0x3FAE]  }
0x2e: {  	s3 =	simm.s32 @!p0 $0x1082;
	s9 =	sld [smem:$0x3FAF]  }
0x2f: {  	lr =	sadd.s32 s0, s3;
	s0 =	sld [smem:$0x3FA6]  }
0x30: {  	s3 =	sld [smem:$0x3FA9]  }
0x31: {  	[smem:$0x3FB2] =	sst s10  }
0x32: {  	s10 =	sld [smem:$0x3FB0];
	_ =	sdelay $0x3  }
0x33: {  	p0 =	seq.s32 s10, $0x1;
	s10 =	sld [smem:$0x3FB2];
	_ =	sdelay $0x3  }
0x34: {  	[smem:$0x3FB2] =	sst s10  }
0x35: {  	s10 =	sld [smem:$0x3FB1];
	_ =	sdelay $0x3  }
0x36: {  	p1 =	seq.s32 s10, $0x1;
	s10 =	sld [smem:$0x3FB2];
	_ =	sdelay $0x3  }
0x37: {  	[smem:$0x3FB2] =	sst s10  }
0x38: {  	s10 =	sld [smem:$0x3FB3]  }
0x39: {  	_ = 	snop;
	(pc) =	sbr.ind lr, $3  }
0x3a: {  	_ = 	snop  }
0x3b: {  	_ = 	snop  }
0x3c: {  	p2 =	seq.s32 s10, $0x1;
	s10 =	sld [smem:$0x3FB2]  }
0x3d: {  	_ =	shalt  }
0x3e: {  	_ =	shalt  }
0x3f: {  	_ =	shalt  }
0x40: {  	_ =	shalt  }
0x41: {  	_ =	shalt  }
0x42: {  	_ =	shalt  }
0x43: {  	_ =	shalt  }
0x44: {  	_ =	shalt  }
0x45: {  	_ =	shalt  }
0x46: {  	_ =	shalt  }
0x47: {  	_ =	shalt  }
0x48: {  	_ =	shalt  }
0x49: {  	_ =	shalt  }
0x4a: {  	_ =	shalt  }
0x4b: {  	_ =	shalt  }
0x4c: {  	_ =	shalt  }
0x4d: {  	_ =	shalt  }
0x4e: {  	_ =	shalt  }
0x4f: {  	_ =	shalt  }
0x50: {  	_ =	shalt  }
0x51: {  	_ =	shalt  }
0x52: {  	_ =	shalt  }
0x53: {  	_ =	shalt  }
0x54: {  	_ =	shalt  }
0x55: {  	_ =	shalt  }
0x56: {  	_ =	shalt  }
0x57: {  	_ =	shalt  }
0x58: {  	_ =	shalt  }
0x59: {  	_ =	shalt  }
0x5a: {  	_ =	shalt  }
0x5b: {  	_ =	shalt  }
0x5c: {  	_ =	shalt  }
0x5d: {  	_ =	shalt  }
0x5e: {  	_ =	shalt  }
0x5f: {  	_ =	shalt  }
0x60: {  	_ =	shalt  }
0x61: {  	_ =	shalt  }
0x62: {  	_ =	shalt  }
0x63: {  	_ =	shalt  }
0x64: {  	_ =	shalt  }
0x65: {  	_ =	shalt  }
0x66: {  	_ =	shalt  }
0x67: {  	_ =	shalt  }
0x68: {  	_ =	shalt  }
0x69: {  	_ =	shalt  }
0x6a: {  	_ =	shalt  }
0x6b: {  	_ =	shalt  }
0x6c: {  	_ =	shalt  }
0x6d: {  	_ =	shalt  }
0x6e: {  	_ =	shalt  }
0x6f: {  	_ =	shalt  }
0x70: {  	_ =	shalt  }
0x71: {  	_ =	shalt  }
0x72: {  	_ =	shalt  }
0x73: {  	_ =	shalt  }
0x74: {  	_ =	shalt  }
0x75: {  	_ =	shalt  }
0x76: {  	_ =	shalt  }
0x77: {  	_ =	shalt  }
0x78: {  	_ =	shalt  }
0x79: {  	_ =	shalt  }
0x7a: {  	_ =	shalt  }
0x7b: {  	_ =	shalt  }
0x7c: {  	_ =	shalt  }
0x7d: {  	_ =	shalt  }
0x7e: {  	_ =	shalt  }
0x7f: {  	_ =	shalt  }
0x80: {  	_ =	shalt  }
0x81: {  	_ =	shalt  }
0x82: {  	_ =	shalt  }
0x83: {  	_ =	shalt  }
0x84: {  	_ =	shalt  }
0x85: {  	_ =	shalt  }
0x86: {  	_ =	shalt  }
0x87: {  	_ =	shalt  }
.Lfunc_end0:
.L_simem_size_0:
called_computation_lowered:
.L_overlay_start_0:
0x88: {  	s2 =	sld [smem:$0x3FD9]  }
0x89: {  	s3 =	sld [smem:$0x3FFE];
	_ =	sdelay $0x1  }
0x8a: {  	s1 =	srdreg.scid  }
0x8b: {  	s0 =	sand.u32 $0x1, s1  }
0x8c: {  	s14 =	sshll.u32 s0, $0xA;
	s2 =	sadd.s32 s3, s2  }
0x8d: {  	s2 =	sadd.s32 s2, s14  }
0x8e: {  	[smem:$0x3FBE] =	sst s2  }
0x8f: {  	_ = 	snop  }
0x90: {  	s2 =	sld [smem:$0x3FD0];
	_ =	sdelay $0x2  }
0x91: {  	s15 =	simm.s32 $0xA;
	s4 =	simm.s32 $0x10  }
0x92: {  	[smem:s4], [sflag:s15] =	dma.local [hbm:s2], $0x1  }
0x93: {  	_ =	swait.eq [sflag:s15], $0x1  }
0x94: {  	[sflag:s15] =	ssyncset.done $0x0  }
0x95: {  	s16 =	sld [smem:$0x10];
	[sflag:s15] =	ssyncadd.s32 $0xFFFFFFFF  }
0x96: {  	s17 =	sld [smem:$0x11];
	(tm) =	ssettm $0x1  }
0x97: {  	s18 =	sld [smem:$0x3FFB];
	_ =	sdelay $0x3  }
0x98: {  	_ =	strace s18  }
0x99: {  	s4 =	sld [smem:$0x3FFC];
	_ =	sdelay $0x3  }
0x9a: {  	_ =	strace s4  }
0x9b: {  	s4 =	sld [smem:$0x3FFD];
	_ =	sdelay $0x3  }
0x9c: {  	_ =	strace s4  }
0x9d: {  	_ =	strace $0x8FFFFFFF  }
0x9e: {  	s19 =	sld [smem:$0x3FDB];
	_ =	sdelay $0x1  }
0x9f: {  	s5 =	simm.s32 $_scs_section_size  }
0xa0: {  	s6 =	simm.s32 $_size__tile_overlayer_lowered;
	s7 =	simm.s32 $_tile_overlayer_lowered  }
0xa1: {  	s22 =	simm.s32 $0x1BFF;
	s21 =	sshll.u32 s7, $0x1;
	s4 =	sadd.s32 s5, s19  }
0xa2: {  	s8 =	simm.s32 $0x0;
	s20 =	sshll.u32 s6, $0x1;
	s6 =	sadd.s32 s21, s4  }
0xa3: {  	[timem:s8], [sflag:s22] =	dma.local [hbm:s6], s20  }
0xa4: {  	_ =	swait.ge [sflag:s22], s20  }
0xa5: {  	s5 =	ssub.s32 $0x0, s20;
	[sflag:s22] =	ssyncset.done $0x0  }
0xa6: {  	[sflag:s22] =	ssyncadd.s32 s5;
	_ =	sdelay $0x1  }
0xa7: {  	s23 =	simm.s32 $0x1B8B  }
0xa8: {  	_ =	swait.ge [sflag:s23], $0x1  }
0xa9: {  	[sflag:s23] =	ssyncset.done $0x0  }
0xaa: {  	s25 =	simm.s32 $0x1B8E;
	s24 =	sld [smem:$0x3FFE];
	[sflag:s23] =	ssyncadd.s32 $0xFFFFFFFF  }
0xab: {  	s26 =	simm.s32 $execute0_lowered;
	[smem:$0x3FD2] =	sst s25  }
0xac: {  	s6 =	sshll.u32 s26, $0x1;
	_ =	strace $0x80000046;
	[dreg:$0x1] =	wrdreg $0xFFFFFFFF  }
0xad: {  	s28 =	simm.s32 $_size_execute0_lowered;
	s4 =	sadd.s32 s4, s6;
	[dreg:$0x0] =	wrdreg $0x0  }
0xae: {  	s6 =	sshll.u32 s28, $0x1;
	[dreg:$0x2] =	wrdreg s4  }
0xaf: {  	[dreg:$0x3] =	wrdreg s6  }
0xb0: {  	[dreg:$0x4] =	wrdreg $0xC0  }
0xb1: {  	_ =	task [dreg:s8], $0x5FFFF  }
0xb2: {  	[dreg:$0x1] =	wrdreg $0xFFFFFFFF  }
0xb3: {  	[dreg:$0x0] =	wrdreg $0x60  }
0xb4: {  	[dreg:$0x2] =	wrdreg s24  }
0xb5: {  	[dreg:$0x3] =	wrdreg s16  }
0xb6: {  	[dreg:$0x4] =	wrdreg s17  }
0xb7: {  	[dreg:$0x5] =	wrdreg $0xB8000  }
0xb8: {  	[dreg:$0x6] =	wrdreg $0x9  }
0xb9: {  	_ =	task.clear_ibuf [dreg:s8], $0x7FFFF;
	_ =	strace $0x90000046  }
0xba: {  	s29 =	simm.s32 $0x9;
	_ =	strace $0x80000048  }
0xbb: {  	_ =	swait.ge [sflag:s29], $0x1  }
0xbc: {  	[sflag:s29] =	ssyncadd.s32 $0xFFFFFFFF  }
0xbd: {  	_ =	strace $0x90000048  }
0xbe: {  	_ =	sfence  }
0xbf: {  	s30 =	sld [smem:$0x0];
	_ =	sdelay $0x2  }
0xc0: {  	s31 =	sshll.u32 s1, $0xD;
	s1 =	sshrl.u32 s1, $0x2  }
0xc1: {  	s3 =	sand.u32 $0x4000, s31;
	s1 =	sadd.s32 s1, s30  }
0xc2: {  	s0 =	sor.u32 s3, s0;
	s1 =	sshll.u32 s1, $0x11  }
0xc3: {  	s0 =	sor.u32 s1, s0  }
0xc4: {  	s0 =	sadd.s32 $0x8F2B, s0  }
0xc5: {  	[sflag:s0] =	ssyncadd.remote.s32 $0x1  }
0xc6: {  	_ =	sfence.sel $0xFFFF  }
0xc7: {  	[dreg:$0x0] =	wrdreg $0xFFFFFFFF;
	(pc) =	sbr.abs _section_cstart, $3  }
0xc8: {  	[dreg:$0x1] =	wrdreg $0xFFFFFFFF  }
0xc9: {  	_ =	task.clear_ibuf [dreg:s8], $0x2FFFF;
	_ =	strace $0x9FFFFFFF  }
0xca: {  	(tm) =	ssettm $0x7FFFFFFF  }
0xcb: {  	_ =	shalt  }
tec
execute0_lowered:
.L_overlay_start_1:
0x0: {  	(tag) =	ssettag $0x1  }
0x1: {  	s0 =	rddreg [dreg:$0x0]  }
0x2: {  	s11 =	rddreg [dreg:$0x1]  }
0x3: {  	s13 =	rddreg [dreg:$0x2]  }
0x4: {  	s4 =	rddreg [dreg:$0x3];
	s10 =	stileid.u32  }
0x5: {  	s1 =	srdreg.scid;
	s5 =	simm.s32 $0x0;
	s28 =	simm.s32 $0x6  }
0x6: {  	s29 =	simm.s32 $0x8;
	s30 =	simm.s32 $0x4;
	s2 =	smul.u32 $0x13C00, s10  }
0x7: {  	s31 =	simm.s32 $0x7;
	s1 =	sand.u32 $0x1, s1;
	s21 =	smul.u32 $0x4EC0, s10  }
0x8: {  	[smem:$0x7FF] =	sst s5;
	s6 =	sadd.s32 $0xA00, s0;
	s24 =	smul.u32 $0x4F000, s10  }
0x9: {  	s15 =	sshll.u32 s10, $0x6;
	s3 =	smul.u32 $0x13C000, s1;
	_ =	strace $0x80000047  }
0xa: {  	s7 =	smul.u32 $0x4EC00, s1;
	s1 =	ssub.s32 $0x2, s1;
	s8 =	sshrl.u32 s2, $0x3  }
0xb: {  	s22 =	sshrl.u32 s1, $0x1;
	s2 =	sadd.s32 s2, s3;
	s8 =	sadd.s32 s8, s0  }
0xc: {  	s3 =	sadd.s32 s21, s7;
	s1 =	ssub.s32 s1, s22;
	s2 =	sshrl.u32 s2, $0x3  }
0xd: {  	s23 =	sshrl.u32 s3, $0x3;
	s7 =	sadd.s32 $0x78, s3;
	s16 =	sadd.s32 $0x4EC00, s8  }
0xe: {  	s17 =	sadd.s32 $0x690, s3;
	s19 =	sadd.s32 $0x618, s3;
	s1 =	smax.u32 s1, $0x1  }
0xf: {  	s0 =	sadd.s32 s2, s0;
	s9 =	sadd.s32 s11, s23;
	[dreg:$0xc] =	wrdreg s16  }
0x10: {  	s7 =	sshrl.u32 s7, $0x3;
	s12 =	sadd.s32 s13, s23;
	[dreg:$0xf] =	wrdreg s1  }
0x11: {  	s2 =	sadd.s32 $0x1E, s23;
	s18 =	sshrl.u32 s17, $0x3;
	[dreg:$0x5] =	wrdreg s9  }
0x12: {  	s21 =	sshrl.u32 s19, $0x3;
	[dreg:$0x6] =	wrdreg s12;
	s25 =	sadd.s32 s11, s7  }
0x13: {  	s23 =	sadd.s32 $0x528, s3;
	s7 =	sadd.s32 s13, s7;
	[dreg:$0x7] =	wrdreg s25  }
0x14: {  	s17 =	sadd.s32 $0x2D0, s3;
	s26 =	sadd.s32 s11, s2;
	[dreg:$0x8] =	wrdreg s7  }
0x15: {  	s12 =	sshrl.u32 s24, $0x2;
	s2 =	sadd.s32 s13, s2;
	[dreg:$0x9] =	wrdreg s26  }
0x16: {  	s9 =	sor.u32 $0x1C0B, s15;
	s0 =	sadd.s32 $0x76400, s0;
	[dreg:$0xa] =	wrdreg s2  }
0x17: {  	s20 =	sadd.s32 s18, s13;
	s22 =	sadd.s32 s21, s13;
	[dreg:$0xe] =	wrdreg s0  }
0x18: {  	s1 =	sadd.s32 s21, s11;
	s24 =	sadd.s32 $0x4B0, s3;
	[dreg:$0x10] =	wrdreg s20  }
0x19: {  	s15 =	sadd.s32 $0x348, s3;
	s21 =	sadd.s32 $0x258, s3;
	[dreg:$0x12] =	wrdreg s22  }
0x1a: {  	s14 =	sadd.s32 s12, s4;
	s0 =	sadd.s32 s18, s11;
	[dreg:$0x13] =	wrdreg s1  }
0x1b: {  	s1 =	sshrl.u32 s24, $0x3;
	s26 =	sadd.s32 $0x438, s3;
	s12 =	sadd.s32 $0x3C0, s3  }
0x1c: {  	s18 =	sshrl.u32 s17, $0x3;
	s22 =	sshrl.u32 s21, $0x3;
	[dreg:$0xd] =	wrdreg s9  }
0x1d: {  	s24 =	sadd.s32 $0x1E0, s3;
	s17 =	simm.s32 $0x80;
	[dreg:$0xb] =	wrdreg s14  }
0x1e: {  	s2 =	simm.s32 $0x300;
	[dreg:$0x11] =	wrdreg s0;
	s8 =	sadd.s32 s1, s13  }
0x1f: {  	s21 =	simm.s32 $0x4000;
	s1 =	sadd.s32 s1, s11;
	[dreg:$0x16] =	wrdreg s8  }
0x20: {  	s0 =	sshrl.u32 s23, $0x3;
	s20 =	sadd.s32 s18, s13;
	[dreg:$0x17] =	wrdreg s1  }
0x21: {  	s7 =	sshrl.u32 s26, $0x3;
	s23 =	sadd.s32 $0x5A0, s3;
	[dreg:$0x1e] =	wrdreg s20  }
0x22: {  	s14 =	sshrl.u32 s12, $0x3;
	s26 =	sadd.s32 s22, s13;
	[smem:$0x7F9] =	sst s23  }
0x23: {  	s25 =	sadd.s32 s0, s13;
	s0 =	sadd.s32 s0, s11;
	[smem:$0x7FA] =	sst s26  }
0x24: {  	s10 =	sadd.s32 s7, s13;
	s1 =	sshrl.u32 s15, $0x3;
	[dreg:$0x14] =	wrdreg s25  }
0x25: {  	s16 =	sadd.s32 s14, s13;
	s15 =	simm.s32 $0x100;
	[dreg:$0x15] =	wrdreg s0  }
0x26: {  	s20 =	simm.s32 $0x2;
	s23 =	simm.s32 $0x3;
	[dreg:$0x18] =	wrdreg s10  }
0x27: {  	s26 =	simm.s32 $0x380;
	s0 =	sadd.s32 s7, s11;
	[dreg:$0x1a] =	wrdreg s16  }
0x28: {  	s19 =	sadd.s32 s1, s13;
	s1 =	sadd.s32 s1, s11;
	s25 =	sadd.s32 $0x168, s3  }
0x29: {  	s7 =	sshrl.u32 s24, $0x3;
	s16 =	simm.s32 $0x200;
	[dreg:$0x19] =	wrdreg s0  }
0x2a: {  	s3 =	simm.s32 $0x1;
	s24 =	simm.s32 $0x7C00;
	[dreg:$0x1c] =	wrdreg s19  }
0x2b: {  	s0 =	sadd.s32 s14, s11;
	[dreg:$0x1d] =	wrdreg s1;
	s8 =	sshrl.u32 s25, $0x3  }
0x2c: {  	s10 =	sadd.s32 s7, s13;
	s12 =	sadd.s32 s7, s11;
	s19 =	simm.s32 $0x400  }
0x2d: {  	s25 =	simm.s32 $0x180;
	s1 =	simm.s32 $0xA;
	[dreg:$0x1b] =	wrdreg s0  }
.Ltmp0:
0x2e: {  	s0 =	sadd.s32 s18, s11;
	[smem:$0x7FC] =	sst s10;
	(pc) =	sbr.rel .LBB2_1-.Ltmp0, $4  }
0x2f: {  	s13 =	sadd.s32 s8, s13;
	s14 =	sadd.s32 s8, s11;
	s8 =	simm.s32 $0x280  }
0x30: {  	s10 =	simm.s32 $0xB;
	[dreg:$0x1f] =	wrdreg s0;
	s0 =	sadd.s32 s22, s11  }
0x31: {  	s18 =	simm.s32 $0x78;
	s11 =	simm.s32 $0x0;
	[smem:$0x7FB] =	sst s0  }
0x32: {  	s22 =	simm.s32 $0x5;
	s0 =	simm.s32 $0x9;
	[smem:$0x7FD] =	sst s11  }
.LBB2_4:
0x33: {  	_ =	swait.ge [sflag:s28], $0x3C00  }
0x34: {  	[sflag:s28] =	ssyncset.done $0x0  }
0x35: {  	[sflag:s28] =	ssyncadd.s32 $0xFFFFC400  }
0x36: {  	[spmem:s4] =	stream.indirect.scatter.add.f32 [tilespmem:s21], [sflag:$0x9], $0x80, s2, s18, $0xb8;
	[tilespmem:$0x1F400] =	vst v63  }
0x37: {  	_ =	swait.ge [sflag:s29], $0x3C00  }
0x38: {  	[sflag:s29] =	ssyncset.done $0x0  }
0x39: {  	[sflag:s29] =	ssyncadd.s32 $0xFFFFC400  }
0x3a: {  	_ =	swait.ge [sflag:s31], $0x3C00  }
0x3b: {  	[sflag:s31] =	ssyncset.done $0x0  }
0x3c: {  	[sflag:s31] =	ssyncadd.s32 $0xFFFFC400  }
0x3d: {  	[spmem:s4] =	stream.indirect.scatter.add.f32 [tilespmem:s24], [sflag:$0xA], $0x80, s26, s18, $0xb8;
	[tilespmem:$0x1F400] =	vst v63  }
0x3e: {  	_ =	swait.ge [sflag:s0], $0x3C00  }
0x3f: {  	[sflag:s0] =	ssyncset.done $0x0  }
0x40: {  	[sflag:s0] =	ssyncadd.s32 $0xFFFFC400  }
0x41: {  	_ =	swait.ge [sflag:s1], $0x3C00  }
0x42: {  	[sflag:s1] =	ssyncset.done $0x0  }
0x43: {  	[sflag:s1] =	ssyncadd.s32 $0xFFFFC400  }
0x44: {  	[bflag:$0x0] =	sbarrier.arrive $0xFFFF  }
0x45: {  	s10 =	sld [smem:$0x7F8]  }
0x46: {  	s9 =	rddreg [dreg:$0xd]  }
0x47: {  	s7 =	rddreg [dreg:$0xe]  }
0x48: {  	[hbm:s7], [sflag:s9] =	dma.local [spmem:s10], $0x2780  }
0x49: {  	s10 =	simm.s32 $0xB  }
0x4a: {  	_ =	swait.ge [sflag:s10], $0x2780  }
0x4b: {  	s11 =	sld [smem:$0x7FD];
	_ =	sdelay $0x2  }
0x4c: {  	s7 =	rddreg [dreg:$0xf];
	s11 =	sadd.s32 $0x1, s11  }
0x4d: {  	p0 =	sne.s32 s11, s7  }
.Ltmp1:
0x4e: {  	_ = 	snop;
	(pc) =	sbr.rel @!p0 .LBB2_5-.Ltmp1, $3  }
0x4f: {  	_ =	sdelay $0x1  }
0x50: {  	[sflag:s10] =	ssyncset.done $0x0  }
0x51: {  	[sflag:s10] =	ssyncadd.s32 $0xFFFFD880;
	[smem:$0x7FD] =	sst s11  }
.LBB2_1:
0x52: {  	s7 =	rddreg [dreg:$0x5]  }
0x53: {  	[tilespmem:s5], [sflag:$0x1] =	stream.linear.gather [hbm4b:s7+s5], $0x78, $0x38;
	[tilespmem:$0x1F400] =	vst v63  }
0x54: {  	s11 =	rddreg [dreg:$0x6]  }
0x55: {  	[tilespmem:s16], [sflag:$0x1] =	stream.linear.gather [hbm4b:s11+s5], $0x78, $0x38;
	[tilespmem:$0x1F400] =	vst v63  }
0x56: {  	s11 =	rddreg [dreg:$0x7]  }
0x57: {  	[tilespmem:s17], [sflag:$0x2] =	stream.linear.gather [hbm4b:s11+s5], $0x78, $0x38;
	[tilespmem:$0x1F400] =	vst v63  }
0x58: {  	s11 =	rddreg [dreg:$0x8]  }
0x59: {  	[tilespmem:s8], [sflag:$0x2] =	stream.linear.gather [hbm4b:s11+s5], $0x78, $0x38;
	[tilespmem:$0x1F400] =	vst v63  }
0x5a: {  	s11 =	rddreg [dreg:$0x9]  }
0x5b: {  	[tilespmem:s15], [sflag:$0x3] =	stream.linear.gather [hbm4b:s11+s5], $0x78, $0x38;
	[tilespmem:$0x1F400] =	vst v63  }
0x5c: {  	s11 =	rddreg [dreg:$0xa]  }
0x5d: {  	[tilespmem:s2], [sflag:$0x3] =	stream.linear.gather [hbm4b:s11+s5], $0x78, $0x38;
	[tilespmem:$0x1F400] =	vst v63  }
0x5e: {  	s11 =	rddreg [dreg:$0xb]  }
0x5f: {  	s7 =	rddreg [dreg:$0xc];
	s11 =	sshrl.u32 s11, $0x3  }
0x60: {  	[smem:$0x7F8] =	sst s11  }
0x61: {  	[spmem:s11], [sflag:s9] =	dma.local [hbm:s7], $0x2780  }
0x62: {  	_ =	swait.ge [sflag:s10], $0x2780  }
0x63: {  	[sflag:s10] =	ssyncset.done $0x0  }
0x64: {  	[sflag:s10] =	ssyncadd.s32 $0xFFFFD880  }
0x65: {  	[bflag:$0x0] =	sbarrier.arrive $0xFFFF  }
0x66: {  	_ =	swait.ge [sflag:s3], $0x78  }
0x67: {  	[sflag:s3] =	ssyncset.done $0x0  }
0x68: {  	[sflag:s3] =	ssyncadd.s32 $0xFFFFFF88  }
0x69: {  	_ =	swait.ge [sflag:s3], $0x78  }
0x6a: {  	[sflag:s3] =	ssyncset.done $0x0  }
0x6b: {  	[sflag:s3] =	ssyncadd.s32 $0xFFFFFF88  }
0x6c: {  	[tilespmem:s19], [sflag:$0x5] =	stream.indirect.gather [hbm4b:s6+s18], $0x80, s5, s18, $0xb8;
	[tilespmem:$0x1F400] =	vst v63  }
0x6d: {  	_ =	swait.ge [sflag:s20], $0x78  }
0x6e: {  	[sflag:s20] =	ssyncset.done $0x0  }
0x6f: {  	[sflag:s20] =	ssyncadd.s32 $0xFFFFFF88  }
0x70: {  	_ =	swait.ge [sflag:s20], $0x78  }
0x71: {  	[sflag:s20] =	ssyncset.done $0x0  }
0x72: {  	s9 =	simm.s32 $0x0;
	s7 =	sld [smem:$0x7F9];
	[sflag:s20] =	ssyncadd.s32 $0xFFFFFF88  }
0x73: {  	[tilespmem:s21], [sflag:$0x6] =	stream.indirect.gather [hbm4b:s6+s18], $0x80, s17, s18, $0xb8;
	[tilespmem:$0x1F400] =	vst v63  }
.LBB2_2:
0x74: {  	_ =	swait.ge [sflag:s22], $0x3C00  }
0x75: {  	p0 =	seq.s32 s9, $0x0;
	[sflag:s22] =	ssyncset.done $0x0  }
0x76: {  	s10 =	simm.s32 @!p0 $0xA;
	[sflag:s22] =	ssyncadd.s32 $0xFFFFC400  }
0x77: {  	[spmem:s4] =	stream.indirect.scatter.add.f32 [tilespmem:s19], [sflag:$0x8], $0x80, s16, s18, $0xb8;
	[tilespmem:$0x1F400] =	vst v63  }
0x78: {  	_ =	swait.ge @!p0 [sflag:s10], $0x3C00  }
0x79: {  	[sflag:s10] =	ssyncset.done @!p0 $0x0  }
0x7a: {  	[sflag:s10] =	ssyncadd.s32 @!p0 $0xFFFFC400  }
0x7b: {  	_ =	swait.ge [sflag:s23], $0x78  }
0x7c: {  	[sflag:s23] =	ssyncset.done $0x0  }
0x7d: {  	[sflag:s23] =	ssyncadd.s32 $0xFFFFFF88  }
0x7e: {  	_ =	swait.ge [sflag:s23], $0x78  }
0x7f: {  	[sflag:s23] =	ssyncset.done $0x0  }
0x80: {  	[sflag:s23] =	ssyncadd.s32 $0xFFFFFF88  }
0x81: {  	[tilespmem:s24], [sflag:$0x7] =	stream.indirect.gather [hbm4b:s6+s18], $0x80, s15, s18, $0xb8;
	[tilespmem:$0x1F400] =	vst v63  }
0x82: {  	s11 =	sadd.s32 s9, s14  }
0x83: {  	[tilespmem:s25], [sflag:$0x4] =	stream.linear.gather [hbm4b:s11+s5], $0x78, $0x38;
	[tilespmem:$0x1F400] =	vst v63  }
0x84: {  	s11 =	sadd.s32 s9, s13  }
0x85: {  	[tilespmem:s26], [sflag:$0x4] =	stream.linear.gather [hbm4b:s11+s5], $0x78, $0x38;
	[tilespmem:$0x1F400] =	vst v63  }
0x86: {  	_ =	swait.ge [sflag:s28], $0x3C00  }
0x87: {  	[sflag:s28] =	ssyncset.done $0x0  }
0x88: {  	[sflag:s28] =	ssyncadd.s32 $0xFFFFC400  }
0x89: {  	[spmem:s4] =	stream.indirect.scatter.add.f32 [tilespmem:s21], [sflag:$0x9], $0x80, s8, s18, $0xb8;
	[tilespmem:$0x1F400] =	vst v63  }
0x8a: {  	_ =	swait.ge [sflag:s29], $0x3C00  }
0x8b: {  	[sflag:s29] =	ssyncset.done $0x0  }
0x8c: {  	[sflag:s29] =	ssyncadd.s32 $0xFFFFC400  }
0x8d: {  	_ =	swait.ge [sflag:s30], $0x78  }
0x8e: {  	[sflag:s30] =	ssyncset.done $0x0  }
0x8f: {  	[sflag:s30] =	ssyncadd.s32 $0xFFFFFF88  }
0x90: {  	_ =	swait.ge [sflag:s30], $0x78  }
0x91: {  	[sflag:s30] =	ssyncset.done $0x0  }
0x92: {  	[sflag:s30] =	ssyncadd.s32 $0xFFFFFF88  }
0x93: {  	[tilespmem:s19], [sflag:$0x5] =	stream.indirect.gather [hbm4b:s6+s18], $0x80, s25, s18, $0xb8;
	[tilespmem:$0x1F400] =	vst v63  }
0x94: {  	s11 =	sadd.s32 s9, s12  }
0x95: {  	[tilespmem:s5], [sflag:$0x1] =	stream.linear.gather [hbm4b:s11+s5], $0x78, $0x38;
	[tilespmem:$0x1F400] =	vst v63  }
0x96: {  	s11 =	sld [smem:$0x7FC];
	_ =	sdelay $0x2  }
0x97: {  	s10 =	sadd.s32 s9, s11  }
0x98: {  	[tilespmem:s16], [sflag:$0x1] =	stream.linear.gather [hbm4b:s10+s5], $0x78, $0x38;
	[tilespmem:$0x1F400] =	vst v63  }
0x99: {  	_ =	swait.ge [sflag:s31], $0x3C00  }
0x9a: {  	[sflag:s31] =	ssyncset.done $0x0  }
0x9b: {  	[sflag:s31] =	ssyncadd.s32 $0xFFFFC400  }
0x9c: {  	[spmem:s4] =	stream.indirect.scatter.add.f32 [tilespmem:s24], [sflag:$0xA], $0x80, s2, s18, $0xb8;
	[tilespmem:$0x1F400] =	vst v63  }
0x9d: {  	_ =	swait.ge [sflag:s0], $0x3C00  }
0x9e: {  	[sflag:s0] =	ssyncset.done $0x0  }
0x9f: {  	[sflag:s0] =	ssyncadd.s32 $0xFFFFC400  }
0xa0: {  	_ =	swait.ge [sflag:s3], $0x78  }
0xa1: {  	[sflag:s3] =	ssyncset.done $0x0  }
0xa2: {  	[sflag:s3] =	ssyncadd.s32 $0xFFFFFF88  }
0xa3: {  	_ =	swait.ge [sflag:s3], $0x78  }
0xa4: {  	[sflag:s3] =	ssyncset.done $0x0;
	s11 =	sld [smem:$0x7FB]  }
0xa5: {  	[sflag:s3] =	ssyncadd.s32 $0xFFFFFF88  }
0xa6: {  	[tilespmem:s21], [sflag:$0x6] =	stream.indirect.gather [hbm4b:s6+s18], $0x80, s5, s18, $0xb8;
	[tilespmem:$0x1F400] =	vst v63  }
0xa7: {  	s10 =	sadd.s32 s9, s11;
	s11 =	sld [smem:$0x7FA];
	_ =	sdelay $0x1  }
0xa8: {  	[tilespmem:s17], [sflag:$0x2] =	stream.linear.gather [hbm4b:s10+s5], $0x78, $0x38;
	[tilespmem:$0x1F400] =	vst v63  }
0xa9: {  	s10 =	sadd.s32 s9, s11  }
0xaa: {  	[tilespmem:s8], [sflag:$0x2] =	stream.linear.gather [hbm4b:s10+s5], $0x78, $0x38;
	[tilespmem:$0x1F400] =	vst v63  }
0xab: {  	_ =	swait.ge [sflag:s22], $0x3C00  }
0xac: {  	[sflag:s22] =	ssyncset.done $0x0  }
0xad: {  	[sflag:s22] =	ssyncadd.s32 $0xFFFFC400  }
0xae: {  	[spmem:s4] =	stream.indirect.scatter.add.f32 [tilespmem:s19], [sflag:$0x8], $0x80, s26, s18, $0xb8;
	[tilespmem:$0x1F400] =	vst v63  }
0xaf: {  	_ =	swait.ge [sflag:s1], $0x3C00  }
0xb0: {  	[sflag:s1] =	ssyncset.done $0x0  }
0xb1: {  	[sflag:s1] =	ssyncadd.s32 $0xFFFFC400  }
0xb2: {  	_ =	swait.ge [sflag:s20], $0x78  }
0xb3: {  	[sflag:s20] =	ssyncset.done $0x0  }
0xb4: {  	[sflag:s20] =	ssyncadd.s32 $0xFFFFFF88  }
0xb5: {  	_ =	swait.ge [sflag:s20], $0x78  }
0xb6: {  	[sflag:s20] =	ssyncset.done $0x0  }
0xb7: {  	s11 =	rddreg [dreg:$0x1f];
	[sflag:s20] =	ssyncadd.s32 $0xFFFFFF88  }
0xb8: {  	[tilespmem:s24], [sflag:$0x7] =	stream.indirect.gather [hbm4b:s6+s18], $0x80, s17, s18, $0xb8;
	[tilespmem:$0x1F400] =	vst v63  }
0xb9: {  	s10 =	sadd.s32 s9, s11;
	s11 =	rddreg [dreg:$0x1e]  }
0xba: {  	[tilespmem:s15], [sflag:$0x3] =	stream.linear.gather [hbm4b:s10+s5], $0x78, $0x38;
	[tilespmem:$0x1F400] =	vst v63  }
0xbb: {  	s10 =	sadd.s32 s9, s11  }
0xbc: {  	[tilespmem:s2], [sflag:$0x3] =	stream.linear.gather [hbm4b:s10+s5], $0x78, $0x38;
	[tilespmem:$0x1F400] =	vst v63  }
0xbd: {  	_ =	swait.ge [sflag:s28], $0x3C00  }
0xbe: {  	[sflag:s28] =	ssyncset.done $0x0  }
0xbf: {  	[sflag:s28] =	ssyncadd.s32 $0xFFFFC400  }
0xc0: {  	[spmem:s4] =	stream.indirect.scatter.add.f32 [tilespmem:s21], [sflag:$0x9], $0x80, s16, s18, $0xb8;
	[tilespmem:$0x1F400] =	vst v63  }
0xc1: {  	_ =	swait.ge [sflag:s29], $0x3C00  }
0xc2: {  	[sflag:s29] =	ssyncset.done $0x0  }
0xc3: {  	[sflag:s29] =	ssyncadd.s32 $0xFFFFC400  }
0xc4: {  	_ =	swait.ge [sflag:s23], $0x78  }
0xc5: {  	[sflag:s23] =	ssyncset.done $0x0  }
0xc6: {  	[sflag:s23] =	ssyncadd.s32 $0xFFFFFF88  }
0xc7: {  	_ =	swait.ge [sflag:s23], $0x78  }
0xc8: {  	[sflag:s23] =	ssyncset.done $0x0  }
0xc9: {  	s11 =	rddreg [dreg:$0x1d];
	[sflag:s23] =	ssyncadd.s32 $0xFFFFFF88  }
0xca: {  	[tilespmem:s19], [sflag:$0x5] =	stream.indirect.gather [hbm4b:s6+s18], $0x80, s15, s18, $0xb8;
	[tilespmem:$0x1F400] =	vst v63  }
0xcb: {  	s10 =	sadd.s32 s9, s11;
	s11 =	rddreg [dreg:$0x1c]  }
0xcc: {  	[tilespmem:s25], [sflag:$0x4] =	stream.linear.gather [hbm4b:s10+s5], $0x78, $0x38;
	[tilespmem:$0x1F400] =	vst v63  }
0xcd: {  	s10 =	sadd.s32 s9, s11  }
0xce: {  	[tilespmem:s26], [sflag:$0x4] =	stream.linear.gather [hbm4b:s10+s5], $0x78, $0x38;
	[tilespmem:$0x1F400] =	vst v63  }
0xcf: {  	_ =	swait.ge [sflag:s31], $0x3C00  }
0xd0: {  	[sflag:s31] =	ssyncset.done $0x0  }
0xd1: {  	[sflag:s31] =	ssyncadd.s32 $0xFFFFC400  }
0xd2: {  	[spmem:s4] =	stream.indirect.scatter.add.f32 [tilespmem:s24], [sflag:$0xA], $0x80, s8, s18, $0xb8;
	[tilespmem:$0x1F400] =	vst v63  }
0xd3: {  	_ =	swait.ge [sflag:s0], $0x3C00  }
0xd4: {  	[sflag:s0] =	ssyncset.done $0x0  }
0xd5: {  	[sflag:s0] =	ssyncadd.s32 $0xFFFFC400  }
0xd6: {  	_ =	swait.ge [sflag:s30], $0x78  }
0xd7: {  	[sflag:s30] =	ssyncset.done $0x0  }
0xd8: {  	[sflag:s30] =	ssyncadd.s32 $0xFFFFFF88  }
0xd9: {  	_ =	swait.ge [sflag:s30], $0x78  }
0xda: {  	[sflag:s30] =	ssyncset.done $0x0  }
0xdb: {  	s11 =	rddreg [dreg:$0x1b];
	[sflag:s30] =	ssyncadd.s32 $0xFFFFFF88  }
0xdc: {  	[tilespmem:s21], [sflag:$0x6] =	stream.indirect.gather [hbm4b:s6+s18], $0x80, s25, s18, $0xb8;
	[tilespmem:$0x1F400] =	vst v63  }
0xdd: {  	s10 =	sadd.s32 s9, s11;
	s11 =	rddreg [dreg:$0x1a]  }
0xde: {  	[tilespmem:s5], [sflag:$0x1] =	stream.linear.gather [hbm4b:s10+s5], $0x78, $0x38;
	[tilespmem:$0x1F400] =	vst v63  }
0xdf: {  	s10 =	sadd.s32 s9, s11  }
0xe0: {  	[tilespmem:s16], [sflag:$0x1] =	stream.linear.gather [hbm4b:s10+s5], $0x78, $0x38;
	[tilespmem:$0x1F400] =	vst v63  }
0xe1: {  	_ =	swait.ge [sflag:s22], $0x3C00  }
0xe2: {  	[sflag:s22] =	ssyncset.done $0x0  }
0xe3: {  	[sflag:s22] =	ssyncadd.s32 $0xFFFFC400  }
0xe4: {  	[spmem:s4] =	stream.indirect.scatter.add.f32 [tilespmem:s19], [sflag:$0x8], $0x80, s2, s18, $0xb8;
	[tilespmem:$0x1F400] =	vst v63  }
0xe5: {  	_ =	swait.ge [sflag:s1], $0x3C00  }
0xe6: {  	[sflag:s1] =	ssyncset.done $0x0  }
0xe7: {  	[sflag:s1] =	ssyncadd.s32 $0xFFFFC400  }
0xe8: {  	_ =	swait.ge [sflag:s3], $0x78  }
0xe9: {  	[sflag:s3] =	ssyncset.done $0x0  }
0xea: {  	[sflag:s3] =	ssyncadd.s32 $0xFFFFFF88  }
0xeb: {  	_ =	swait.ge [sflag:s3], $0x78  }
0xec: {  	[sflag:s3] =	ssyncset.done $0x0  }
0xed: {  	s11 =	rddreg [dreg:$0x19];
	[sflag:s3] =	ssyncadd.s32 $0xFFFFFF88  }
0xee: {  	[tilespmem:s24], [sflag:$0x7] =	stream.indirect.gather [hbm4b:s6+s18], $0x80, s5, s18, $0xb8;
	[tilespmem:$0x1F400] =	vst v63  }
0xef: {  	s10 =	sadd.s32 s9, s11;
	s11 =	rddreg [dreg:$0x18]  }
0xf0: {  	[tilespmem:s17], [sflag:$0x2] =	stream.linear.gather [hbm4b:s10+s5], $0x78, $0x38;
	[tilespmem:$0x1F400] =	vst v63  }
0xf1: {  	s10 =	sadd.s32 s9, s11  }
0xf2: {  	[tilespmem:s8], [sflag:$0x2] =	stream.linear.gather [hbm4b:s10+s5], $0x78, $0x38;
	[tilespmem:$0x1F400] =	vst v63  }
0xf3: {  	_ =	swait.ge [sflag:s28], $0x3C00  }
0xf4: {  	[sflag:s28] =	ssyncset.done $0x0  }
0xf5: {  	[sflag:s28] =	ssyncadd.s32 $0xFFFFC400  }
0xf6: {  	[spmem:s4] =	stream.indirect.scatter.add.f32 [tilespmem:s21], [sflag:$0x9], $0x80, s26, s18, $0xb8;
	[tilespmem:$0x1F400] =	vst v63  }
0xf7: {  	_ =	swait.ge [sflag:s29], $0x3C00  }
0xf8: {  	[sflag:s29] =	ssyncset.done $0x0  }
0xf9: {  	[sflag:s29] =	ssyncadd.s32 $0xFFFFC400  }
0xfa: {  	_ =	swait.ge [sflag:s20], $0x78  }
0xfb: {  	[sflag:s20] =	ssyncset.done $0x0  }
0xfc: {  	[sflag:s20] =	ssyncadd.s32 $0xFFFFFF88  }
0xfd: {  	_ =	swait.ge [sflag:s20], $0x78  }
0xfe: {  	[sflag:s20] =	ssyncset.done $0x0  }
0xff: {  	s11 =	rddreg [dreg:$0x17];
	[sflag:s20] =	ssyncadd.s32 $0xFFFFFF88  }
0x100: {  	[tilespmem:s19], [sflag:$0x5] =	stream.indirect.gather [hbm4b:s6+s18], $0x80, s17, s18, $0xb8;
	[tilespmem:$0x1F400] =	vst v63  }
0x101: {  	s10 =	sadd.s32 s9, s11;
	s11 =	rddreg [dreg:$0x16]  }
0x102: {  	[tilespmem:s15], [sflag:$0x3] =	stream.linear.gather [hbm4b:s10+s5], $0x78, $0x38;
	[tilespmem:$0x1F400] =	vst v63  }
0x103: {  	s10 =	sadd.s32 s9, s11  }
0x104: {  	[tilespmem:s2], [sflag:$0x3] =	stream.linear.gather [hbm4b:s10+s5], $0x78, $0x38;
	[tilespmem:$0x1F400] =	vst v63  }
0x105: {  	_ =	swait.ge [sflag:s31], $0x3C00  }
0x106: {  	[sflag:s31] =	ssyncset.done $0x0  }
0x107: {  	[sflag:s31] =	ssyncadd.s32 $0xFFFFC400  }
0x108: {  	[spmem:s4] =	stream.indirect.scatter.add.f32 [tilespmem:s24], [sflag:$0xA], $0x80, s16, s18, $0xb8;
	[tilespmem:$0x1F400] =	vst v63  }
0x109: {  	_ =	swait.ge [sflag:s0], $0x3C00  }
0x10a: {  	[sflag:s0] =	ssyncset.done $0x0  }
0x10b: {  	[sflag:s0] =	ssyncadd.s32 $0xFFFFC400  }
0x10c: {  	_ =	swait.ge [sflag:s23], $0x78  }
0x10d: {  	[sflag:s23] =	ssyncset.done $0x0  }
0x10e: {  	[sflag:s23] =	ssyncadd.s32 $0xFFFFFF88  }
0x10f: {  	_ =	swait.ge [sflag:s23], $0x78  }
0x110: {  	[sflag:s23] =	ssyncset.done $0x0  }
0x111: {  	s11 =	rddreg [dreg:$0x15];
	[sflag:s23] =	ssyncadd.s32 $0xFFFFFF88  }
0x112: {  	[tilespmem:s21], [sflag:$0x6] =	stream.indirect.gather [hbm4b:s6+s18], $0x80, s15, s18, $0xb8;
	[tilespmem:$0x1F400] =	vst v63  }
0x113: {  	s10 =	sadd.s32 s9, s11;
	s11 =	rddreg [dreg:$0x14]  }
0x114: {  	[tilespmem:s25], [sflag:$0x4] =	stream.linear.gather [hbm4b:s10+s5], $0x78, $0x38;
	[tilespmem:$0x1F400] =	vst v63  }
0x115: {  	s10 =	sadd.s32 s9, s11  }
0x116: {  	[tilespmem:s26], [sflag:$0x4] =	stream.linear.gather [hbm4b:s10+s5], $0x78, $0x38;
	[tilespmem:$0x1F400] =	vst v63  }
0x117: {  	_ =	swait.ge [sflag:s22], $0x3C00  }
0x118: {  	[sflag:s22] =	ssyncset.done $0x0  }
0x119: {  	[sflag:s22] =	ssyncadd.s32 $0xFFFFC400  }
0x11a: {  	[spmem:s4] =	stream.indirect.scatter.add.f32 [tilespmem:s19], [sflag:$0x8], $0x80, s8, s18, $0xb8;
	[tilespmem:$0x1F400] =	vst v63  }
0x11b: {  	_ =	swait.ge [sflag:s1], $0x3C00  }
0x11c: {  	[sflag:s1] =	ssyncset.done $0x0  }
0x11d: {  	[sflag:s1] =	ssyncadd.s32 $0xFFFFC400  }
0x11e: {  	_ =	swait.ge [sflag:s30], $0x78  }
0x11f: {  	p0 =	seq.s32 s9, $0x924;
	[sflag:s30] =	ssyncset.done $0x0  }
.Ltmp2:
0x120: {  	[sflag:s30] =	ssyncadd.s32 $0xFFFFFF88;
	(pc) =	sbr.rel @p0 .LBB2_4-.Ltmp2, $4  }
0x121: {  	_ =	swait.ge [sflag:s30], $0x78  }
0x122: {  	[sflag:s30] =	ssyncset.done $0x0  }
0x123: {  	[sflag:s30] =	ssyncadd.s32 $0xFFFFFF88  }
0x124: {  	[tilespmem:s24], [sflag:$0x7] =	stream.indirect.gather [hbm4b:s6+s18], $0x80, s25, s18, $0xb8;
	[tilespmem:$0x1F400] =	vst v63  }
0x125: {  	s10 =	sshrl.u32 s7, $0x3;
	s11 =	rddreg [dreg:$0x1]  }
0x126: {  	s11 =	sadd.s32 s11, s10  }
0x127: {  	[tilespmem:s5], [sflag:$0x1] =	stream.linear.gather [hbm4b:s11+s5], $0x78, $0x38;
	[tilespmem:$0x1F400] =	vst v63  }
0x128: {  	s11 =	rddreg [dreg:$0x2]  }
0x129: {  	s10 =	sadd.s32 s11, s10  }
0x12a: {  	[tilespmem:s16], [sflag:$0x1] =	stream.linear.gather [hbm4b:s10+s5], $0x78, $0x38;
	[tilespmem:$0x1F400] =	vst v63  }
0x12b: {  	_ =	swait.ge [sflag:s28], $0x3C00  }
0x12c: {  	[sflag:s28] =	ssyncset.done $0x0  }
0x12d: {  	[sflag:s28] =	ssyncadd.s32 $0xFFFFC400  }
0x12e: {  	[spmem:s4] =	stream.indirect.scatter.add.f32 [tilespmem:s21], [sflag:$0x9], $0x80, s2, s18, $0xb8;
	[tilespmem:$0x1F400] =	vst v63  }
0x12f: {  	_ =	swait.ge [sflag:s29], $0x3C00  }
0x130: {  	[sflag:s29] =	ssyncset.done $0x0  }
0x131: {  	[sflag:s29] =	ssyncadd.s32 $0xFFFFC400  }
0x132: {  	_ =	swait.ge [sflag:s3], $0x78  }
0x133: {  	[sflag:s3] =	ssyncset.done $0x0  }
0x134: {  	[sflag:s3] =	ssyncadd.s32 $0xFFFFFF88  }
0x135: {  	_ =	swait.ge [sflag:s3], $0x78  }
0x136: {  	[sflag:s3] =	ssyncset.done $0x0  }
0x137: {  	s11 =	rddreg [dreg:$0x13];
	[sflag:s3] =	ssyncadd.s32 $0xFFFFFF88  }
0x138: {  	[tilespmem:s19], [sflag:$0x5] =	stream.indirect.gather [hbm4b:s6+s18], $0x80, s5, s18, $0xb8;
	[tilespmem:$0x1F400] =	vst v63  }
0x139: {  	s10 =	sadd.s32 s9, s11;
	s11 =	rddreg [dreg:$0x12]  }
0x13a: {  	[tilespmem:s17], [sflag:$0x2] =	stream.linear.gather [hbm4b:s10+s5], $0x78, $0x38;
	[tilespmem:$0x1F400] =	vst v63  }
0x13b: {  	s10 =	sadd.s32 s9, s11  }
0x13c: {  	[tilespmem:s8], [sflag:$0x2] =	stream.linear.gather [hbm4b:s10+s5], $0x78, $0x38;
	[tilespmem:$0x1F400] =	vst v63  }
0x13d: {  	_ =	swait.ge [sflag:s31], $0x3C00  }
0x13e: {  	[sflag:s31] =	ssyncset.done $0x0  }
0x13f: {  	[sflag:s31] =	ssyncadd.s32 $0xFFFFC400  }
0x140: {  	[spmem:s4] =	stream.indirect.scatter.add.f32 [tilespmem:s24], [sflag:$0xA], $0x80, s26, s18, $0xb8;
	[tilespmem:$0x1F400] =	vst v63  }
0x141: {  	_ =	swait.ge [sflag:s0], $0x3C00  }
0x142: {  	[sflag:s0] =	ssyncset.done $0x0  }
0x143: {  	[sflag:s0] =	ssyncadd.s32 $0xFFFFC400  }
0x144: {  	_ =	swait.ge [sflag:s20], $0x78  }
0x145: {  	[sflag:s20] =	ssyncset.done $0x0  }
0x146: {  	[sflag:s20] =	ssyncadd.s32 $0xFFFFFF88  }
0x147: {  	_ =	swait.ge [sflag:s20], $0x78  }
0x148: {  	[sflag:s20] =	ssyncset.done $0x0  }
0x149: {  	[sflag:s20] =	ssyncadd.s32 $0xFFFFFF88  }
0x14a: {  	[tilespmem:s21], [sflag:$0x6] =	stream.indirect.gather [hbm4b:s6+s18], $0x80, s17, s18, $0xb8;
	[tilespmem:$0x1F400] =	vst v63  }
.Ltmp3:
0x14b: {  	s11 =	rddreg [dreg:$0x11];
	(pc) =	sbr.rel .LBB2_2-.Ltmp3, $4  }
0x14c: {  	s10 =	sadd.s32 s9, s11;
	s11 =	rddreg [dreg:$0x10]  }
0x14d: {  	[tilespmem:s15], [sflag:$0x3] =	stream.linear.gather [hbm4b:s10+s5], $0x78, $0x38;
	[tilespmem:$0x1F400] =	vst v63  }
0x14e: {  	s7 =	sadd.s32 $0x5A0, s7;
	s10 =	sadd.s32 s9, s11;
	s9 =	sadd.s32 $0xB4, s9  }
0x14f: {  	[tilespmem:s2], [sflag:$0x3] =	stream.linear.gather [hbm4b:s10+s5], $0x78, $0x38;
	[tilespmem:$0x1F400] =	vst v63  }
.LBB2_5:
0x150: {  	_ =	sfence.sel $0x180000  }
0x151: {  	[bflag:$0x0] =	sbarrier.arrive $0xFFFF  }
0x152: {  	_ =	strace $0x90000047  }
0x153: {  	s0 =	stileid.u32;
	[bflag:$0x2] =	sbarrier.arrive $0xFFFF  }
0x154: {  	p0 =	sne.s32 s0, $0x0;
	s0 =	rddreg [dreg:$0x4]  }
0x155: {  	s0 =	sadd.s32 @!p0 $0x100000, s0  }
0x156: {  	[sflag:s0] =	ssyncadd.tile.s32 @!p0 $0x1;
	_ =	shalt  }
.Lfunc_end2:
_tile_overlayer_lowered:
.L_overlay_start_2:
0x157: {  	(tag) =	ssettag $0x2  }
0x158: {  	s0 =	rddreg [dreg:$0x0];
	s2 =	stileid.u32  }
0x159: {  	s1 =	rddreg [dreg:$0x1];
	p0 =	sne.s32 s2, $0x0  }
0x15a: {  	s3 =	rddreg [dreg:$0x2];
	[bflag:$0x3] =	sbarrier.arrive $0xFFFF;
	s2 =	simm.s32 @!p0 $0x1C0B  }
0x15b: {  	[timem:s3], [sflag:s2] =	dma.local @!p0 [hbm:s0], s1  }
0x15c: {  	s0 =	simm.s32 @!p0 $0xB  }
0x15d: {  	_ =	swait.ge @!p0 [sflag:s0], s1  }
0x15e: {  	s1 =	ssub.s32 @!p0 $0x0, s1;
	[sflag:s0] =	ssyncset.done @!p0 $0x0  }
0x15f: {  	[sflag:s0] =	ssyncadd.s32 @!p0 s1  }
0x160: {  	[bflag:$0x3] =	sbarrier.arrive $0xFFFF  }
0x161: {  	_ =	shalt  }

</sc_bundles>
